<compile_context>
chip_gen: v7x
topology: tpu7x:2x2x1
jax: 0.10.2.dev20260603
libtpu: 0.0.44.dev20260713+nightly
codegen_flags: <defaults>
</compile_context>

<pallas_src>
import jax
import jax.numpy as jnp
from jax import lax
from jax.experimental import pallas as pl
from jax.experimental.pallas import tpu as pltpu
from jax.experimental.pallas import tpu_sc as plsc

_NB = 4096
_NL = 200
_D = 64
_NW = 32
_BBLK = _NB // _NW
_BPW = _BBLK * _NL
_LCH = 4
_CH = _LCH * _BBLK
_RNDS = _NL // _LCH
_NPAIR = _RNDS // 2


def _emb_body(x_hbm, table_hbm, out_hbm, x_v, rows_v,
              s_g0, s_g1, s_o0, s_o1):
    s_gat = (s_g0, s_g1)
    s_out = (s_o0, s_o1)
    wid = lax.axis_index("s") * 2 + lax.axis_index("c")

    def gat_cp(r, s):
        return pltpu.make_async_copy(
            table_hbm.at[x_v.at[pl.ds(r * _CH, _CH)]], rows_v.at[s], s_gat[s])

    def out_cp(r, s, j):
        l = r * _LCH + j
        dst = out_hbm.at[pl.ds(wid * _BBLK, _BBLK), pl.ds(l * _D, _D)]
        return pltpu.make_async_copy(
            rows_v.at[s, pl.ds(j * _BBLK, _BBLK)], dst, s_out[s])

    for lg in range(25):
        pltpu.sync_copy(x_hbm.at[lg, pl.ds(wid * 1024, 1024)],
                        x_v.at[pl.ds(lg * 1024, 1024)])

    def pair(p, carry):
        for s in range(2):
            r = p * 2 + s

            @pl.when(p >= 1)
            def _():
                for j in range(_LCH):
                    out_cp(r, s, j).wait()

            gat_cp(r, s).start()

            if s == 0:
                @pl.when(p >= 1)
                def _():
                    gat_cp(r - 1, 1).wait()
                    for j in range(_LCH):
                        out_cp(r - 1, 1, j).start()
            else:
                gat_cp(r - 1, 0).wait()
                for j in range(_LCH):
                    out_cp(r - 1, 0, j).start()
        return carry

    lax.fori_loop(0, _NPAIR, pair, 0)

    last = _RNDS - 1
    gat_cp(last, 1).wait()
    for j in range(_LCH):
        out_cp(last, 1, j).start()
    for j in range(_LCH):
        out_cp(last - 1, 0, j).wait()
    for j in range(_LCH):
        out_cp(last, 1, j).wait()


@jax.jit
def kernel(x, table):
    x4 = (x.T.reshape(25, 8, _NW, 128)
           .transpose(0, 2, 1, 3)
           .reshape(25, _NW * 1024))
    mesh = plsc.VectorSubcoreMesh(core_axis_name="c", subcore_axis_name="s")
    p = pl.kernel(
        _emb_body,
        mesh=mesh,
        compiler_params=pltpu.CompilerParams(
            use_tc_tiling_on_sc=False, needs_layout_passes=False),
        out_type=jax.ShapeDtypeStruct((_NB, _NL * _D), jnp.float32),
        scratch_types=[
            pltpu.VMEM((_BPW,), jnp.int32),
            pltpu.VMEM((2, _CH, _D), jnp.float32),
            pltpu.SemaphoreType.DMA,
            pltpu.SemaphoreType.DMA,
            pltpu.SemaphoreType.DMA,
            pltpu.SemaphoreType.DMA,
        ],
    )(x4, table)
    return p.reshape(_NB, _NL, _D)

# --- scband reference (transcript-rebuilt; emitter-appended) ---
"""Pipeline reference for scband-token-embeddings-62577673502910 (READ-ONLY COPY).

The authoritative reference and input builder live on the scoring server;
editing this copy changes nothing except your own understanding.
"""

import jax, jax.numpy as jnp
import numpy as np

N_TOKENS = 1000000
N_EMBD = 64

def setup_inputs(seed: int = 0) -> dict:
    key = jax.random.key(seed)
    k1, k2 = jax.random.split(key)
    x = jax.random.randint(k1, (4096, 200), 0, N_TOKENS, dtype=jnp.int64 if jax.config.read('jax_enable_x64') else jnp.int32)
    table = jax.random.normal(k2, (N_TOKENS, N_EMBD), dtype=jnp.float32) * 0.02
    return {"x": x, "table": table}

def reference(x, table):
    # nn.Embedding lookup: out[b, l, :] = table[x[b, l], :]
    return jnp.take(table, x, axis=0)

if __name__ == "__main__":
    import jax
    _d = setup_inputs()
    print(jax.jit(kernel)(*tuple(_d.values())))

</pallas_src>

<mosaic_0001>
#map = affine_map<(d0, d1) -> (0, 0)>
module attributes {stable_mosaic.version = 14 : i64} {
  func.func @_emb_body(%arg0: i32, %arg1: i32, %arg2: memref<25x32768xi32, #tpu.memory_space<hbm>>, %arg3: memref<1000000x64xf32, #tpu.memory_space<hbm>>, %arg4: memref<4096x12800xf32, #tpu.memory_space<hbm>>, %arg5: memref<25600xi32, #tpu.memory_space<vmem>>, %arg6: memref<2x512x64xf32, #tpu.memory_space<vmem>>, %arg7: memref<!tpu.dma_semaphore, #tpu.memory_space<semaphore_mem>>, %arg8: memref<!tpu.dma_semaphore, #tpu.memory_space<semaphore_mem>>, %arg9: memref<!tpu.dma_semaphore, #tpu.memory_space<semaphore_mem>>, %arg10: memref<!tpu.dma_semaphore, #tpu.memory_space<semaphore_mem>>) attributes {dimension_semantics = [#tpu.dimension_semantics<core_parallel>, #tpu.dimension_semantics<subcore_parallel>], iteration_bounds = array<i64: 2, 16>, scalar_prefetch = 0 : i64, scratch_operands = 6 : i64, tpu.core_type = #tpu.core_type<sc_vector_subcore>, window_params = [{transform_indices = #map}, {transform_indices = #map}, {transform_indices = #map}]} {
    %mul3A = arith.constant 2 : i32
    %mul3A_0 = arith.muli %arg1, %mul3A : i32
    %add3A = arith.addi %mul3A_0, %arg0 : i32
    %mul3A_1 = arith.constant 1024 : i32
    %mul3A_2 = arith.muli %add3A, %mul3A_1 : i32
    %run_scoped3A = arith.constant 0 : i32
    "tpu.region"() ({
      %run_scoped3A_268 = tpu.sem_alloc : memref<!tpu.dma_semaphore, #tpu.memory_space<semaphore_mem>>
      %dma_start3A_269 = arith.constant 0 : i32
      %dma_start3A_270 = tpu.memref_slice %arg5[%dma_start3A_269] : memref<25600xi32, #tpu.memory_space<vmem>> -> memref<1024xi32, #tpu.memory_space<vmem>>
      %dma_start3A_271 = tpu.memref_slice %arg2[%run_scoped3A, %mul3A_2] : memref<25x32768xi32, #tpu.memory_space<hbm>> -> memref<1x1024xi32, #tpu.memory_space<hbm>>
      %dma_start3A_272 = tpu.memref_squeeze %dma_start3A_271 : memref<1x1024xi32, #tpu.memory_space<hbm>> -> memref<1024xi32, #tpu.memory_space<hbm>>
      %dma_start3A_273 = arith.constant 0 : i32
      %dma_start3A_274 = tpu.memref_slice %arg5[%dma_start3A_273] : memref<25600xi32, #tpu.memory_space<vmem>> -> memref<1024xi32, #tpu.memory_space<vmem>>
      %dma_start3A_275 = tpu.memref_slice %arg2[%run_scoped3A, %mul3A_2] : memref<25x32768xi32, #tpu.memory_space<hbm>> -> memref<1x1024xi32, #tpu.memory_space<hbm>>
      %dma_start3A_276 = tpu.memref_squeeze %dma_start3A_275 : memref<1x1024xi32, #tpu.memory_space<hbm>> -> memref<1024xi32, #tpu.memory_space<hbm>>
      tpu.enqueue_dma source(%dma_start3A_276 : memref<1024xi32, #tpu.memory_space<hbm>>) target(%dma_start3A_274 : memref<1024xi32, #tpu.memory_space<vmem>>) target_semaphore(%run_scoped3A_268 : memref<!tpu.dma_semaphore, #tpu.memory_space<semaphore_mem>>)
      %dma_wait3A_277 = arith.constant 0 : i32
      %dma_wait3A_278 = tpu.memref_slice %arg5[%dma_wait3A_277] : memref<25600xi32, #tpu.memory_space<vmem>> -> memref<1024xi32, #tpu.memory_space<vmem>>
      %dma_wait3A_279 = tpu.memref_slice %arg2[%run_scoped3A, %mul3A_2] : memref<25x32768xi32, #tpu.memory_space<hbm>> -> memref<1x1024xi32, #tpu.memory_space<hbm>>
      %dma_wait3A_280 = tpu.memref_squeeze %dma_wait3A_279 : memref<1x1024xi32, #tpu.memory_space<hbm>> -> memref<1024xi32, #tpu.memory_space<hbm>>
      %dma_wait3A_281 = arith.constant 0 : i32
      %dma_wait3A_282 = tpu.memref_slice %arg5[%dma_wait3A_281] : memref<25600xi32, #tpu.memory_space<vmem>> -> memref<1024xi32, #tpu.memory_space<vmem>>
      %dma_wait3A_283 = tpu.memref_slice %arg2[%run_scoped3A, %mul3A_2] : memref<25x32768xi32, #tpu.memory_space<hbm>> -> memref<1x1024xi32, #tpu.memory_space<hbm>>
      %dma_wait3A_284 = tpu.memref_squeeze %dma_wait3A_283 : memref<1x1024xi32, #tpu.memory_space<hbm>> -> memref<1024xi32, #tpu.memory_space<hbm>>
      tpu.wait_dma2 semaphore(%run_scoped3A_268 : memref<!tpu.dma_semaphore, #tpu.memory_space<semaphore_mem>>) src(%dma_wait3A_284 : memref<1024xi32, #tpu.memory_space<hbm>>) dst(%dma_wait3A_282 : memref<1024xi32, #tpu.memory_space<vmem>>)
      tpu.yield
    }) : () -> ()
    %mul3A_3 = arith.constant 1024 : i32
    %mul3A_4 = arith.muli %add3A, %mul3A_3 : i32
    %run_scoped3A_5 = arith.constant 1 : i32
    "tpu.region"() ({
      %run_scoped3A_268 = tpu.sem_alloc : memref<!tpu.dma_semaphore, #tpu.memory_space<semaphore_mem>>
      %dma_start3A_269 = arith.constant 1024 : i32
      %dma_start3A_270 = tpu.memref_slice %arg5[%dma_start3A_269] : memref<25600xi32, #tpu.memory_space<vmem>> -> memref<1024xi32, #tpu.memory_space<vmem>>
      %dma_start3A_271 = tpu.memref_slice %arg2[%run_scoped3A_5, %mul3A_4] : memref<25x32768xi32, #tpu.memory_space<hbm>> -> memref<1x1024xi32, #tpu.memory_space<hbm>>
      %dma_start3A_272 = tpu.memref_squeeze %dma_start3A_271 : memref<1x1024xi32, #tpu.memory_space<hbm>> -> memref<1024xi32, #tpu.memory_space<hbm>>
      %dma_start3A_273 = arith.constant 1024 : i32
      %dma_start3A_274 = tpu.memref_slice %arg5[%dma_start3A_273] : memref<25600xi32, #tpu.memory_space<vmem>> -> memref<1024xi32, #tpu.memory_space<vmem>>
      %dma_start3A_275 = tpu.memref_slice %arg2[%run_scoped3A_5, %mul3A_4] : memref<25x32768xi32, #tpu.memory_space<hbm>> -> memref<1x1024xi32, #tpu.memory_space<hbm>>
      %dma_start3A_276 = tpu.memref_squeeze %dma_start3A_275 : memref<1x1024xi32, #tpu.memory_space<hbm>> -> memref<1024xi32, #tpu.memory_space<hbm>>
      tpu.enqueue_dma source(%dma_start3A_276 : memref<1024xi32, #tpu.memory_space<hbm>>) target(%dma_start3A_274 : memref<1024xi32, #tpu.memory_space<vmem>>) target_semaphore(%run_scoped3A_268 : memref<!tpu.dma_semaphore, #tpu.memory_space<semaphore_mem>>)
      %dma_wait3A_277 = arith.constant 1024 : i32
      %dma_wait3A_278 = tpu.memref_slice %arg5[%dma_wait3A_277] : memref<25600xi32, #tpu.memory_space<vmem>> -> memref<1024xi32, #tpu.memory_space<vmem>>
      %dma_wait3A_279 = tpu.memref_slice %arg2[%run_scoped3A_5, %mul3A_4] : memref<25x32768xi32, #tpu.memory_space<hbm>> -> memref<1x1024xi32, #tpu.memory_space<hbm>>
      %dma_wait3A_280 = tpu.memref_squeeze %dma_wait3A_279 : memref<1x1024xi32, #tpu.memory_space<hbm>> -> memref<1024xi32, #tpu.memory_space<hbm>>
      %dma_wait3A_281 = arith.constant 1024 : i32
      %dma_wait3A_282 = tpu.memref_slice %arg5[%dma_wait3A_281] : memref<25600xi32, #tpu.memory_space<vmem>> -> memref<1024xi32, #tpu.memory_space<vmem>>
      %dma_wait3A_283 = tpu.memref_slice %arg2[%run_scoped3A_5, %mul3A_4] : memref<25x32768xi32, #tpu.memory_space<hbm>> -> memref<1x1024xi32, #tpu.memory_space<hbm>>
      %dma_wait3A_284 = tpu.memref_squeeze %dma_wait3A_283 : memref<1x1024xi32, #tpu.memory_space<hbm>> -> memref<1024xi32, #tpu.memory_space<hbm>>
      tpu.wait_dma2 semaphore(%run_scoped3A_268 : memref<!tpu.dma_semaphore, #tpu.memory_space<semaphore_mem>>) src(%dma_wait3A_284 : memref<1024xi32, #tpu.memory_space<hbm>>) dst(%dma_wait3A_282 : memref<1024xi32, #tpu.memory_space<vmem>>)
      tpu.yield
    }) : () -> ()
    %mul3A_6 = arith.constant 1024 : i32
    %mul3A_7 = arith.muli %add3A, %mul3A_6 : i32
    %run_scoped3A_8 = arith.constant 2 : i32
    "tpu.region"() ({
      %run_scoped3A_268 = tpu.sem_alloc : memref<!tpu.dma_semaphore, #tpu.memory_space<semaphore_mem>>
      %dma_start3A_269 = arith.constant 2048 : i32
      %dma_start3A_270 = tpu.memref_slice %arg5[%dma_start3A_269] : memref<25600xi32, #tpu.memory_space<vmem>> -> memref<1024xi32, #tpu.memory_space<vmem>>
      %dma_start3A_271 = tpu.memref_slice %arg2[%run_scoped3A_8, %mul3A_7] : memref<25x32768xi32, #tpu.memory_space<hbm>> -> memref<1x1024xi32, #tpu.memory_space<hbm>>
      %dma_start3A_272 = tpu.memref_squeeze %dma_start3A_271 : memref<1x1024xi32, #tpu.memory_space<hbm>> -> memref<1024xi32, #tpu.memory_space<hbm>>
      %dma_start3A_273 = arith.constant 2048 : i32
      %dma_start3A_274 = tpu.memref_slice %arg5[%dma_start3A_273] : memref<25600xi32, #tpu.memory_space<vmem>> -> memref<1024xi32, #tpu.memory_space<vmem>>
      %dma_start3A_275 = tpu.memref_slice %arg2[%run_scoped3A_8, %mul3A_7] : memref<25x32768xi32, #tpu.memory_space<hbm>> -> memref<1x1024xi32, #tpu.memory_space<hbm>>
      %dma_start3A_276 = tpu.memref_squeeze %dma_start3A_275 : memref<1x1024xi32, #tpu.memory_space<hbm>> -> memref<1024xi32, #tpu.memory_space<hbm>>
      tpu.enqueue_dma source(%dma_start3A_276 : memref<1024xi32, #tpu.memory_space<hbm>>) target(%dma_start3A_274 : memref<1024xi32, #tpu.memory_space<vmem>>) target_semaphore(%run_scoped3A_268 : memref<!tpu.dma_semaphore, #tpu.memory_space<semaphore_mem>>)
      %dma_wait3A_277 = arith.constant 2048 : i32
      %dma_wait3A_278 = tpu.memref_slice %arg5[%dma_wait3A_277] : memref<25600xi32, #tpu.memory_space<vmem>> -> memref<1024xi32, #tpu.memory_space<vmem>>
      %dma_wait3A_279 = tpu.memref_slice %arg2[%run_scoped3A_8, %mul3A_7] : memref<25x32768xi32, #tpu.memory_space<hbm>> -> memref<1x1024xi32, #tpu.memory_space<hbm>>
      %dma_wait3A_280 = tpu.memref_squeeze %dma_wait3A_279 : memref<1x1024xi32, #tpu.memory_space<hbm>> -> memref<1024xi32, #tpu.memory_space<hbm>>
      %dma_wait3A_281 = arith.constant 2048 : i32
      %dma_wait3A_282 = tpu.memref_slice %arg5[%dma_wait3A_281] : memref<25600xi32, #tpu.memory_space<vmem>> -> memref<1024xi32, #tpu.memory_space<vmem>>
      %dma_wait3A_283 = tpu.memref_slice %arg2[%run_scoped3A_8, %mul3A_7] : memref<25x32768xi32, #tpu.memory_space<hbm>> -> memref<1x1024xi32, #tpu.memory_space<hbm>>
      %dma_wait3A_284 = tpu.memref_squeeze %dma_wait3A_283 : memref<1x1024xi32, #tpu.memory_space<hbm>> -> memref<1024xi32, #tpu.memory_space<hbm>>
      tpu.wait_dma2 semaphore(%run_scoped3A_268 : memref<!tpu.dma_semaphore, #tpu.memory_space<semaphore_mem>>) src(%dma_wait3A_284 : memref<1024xi32, #tpu.memory_space<hbm>>) dst(%dma_wait3A_282 : memref<1024xi32, #tpu.memory_space<vmem>>)
      tpu.yield
    }) : () -> ()
    %mul3A_9 = arith.constant 1024 : i32
    %mul3A_10 = arith.muli %add3A, %mul3A_9 : i32
    %run_scoped3A_11 = arith.constant 3 : i32
    "tpu.region"() ({
      %run_scoped3A_268 = tpu.sem_alloc : memref<!tpu.dma_semaphore, #tpu.memory_space<semaphore_mem>>
      %dma_start3A_269 = arith.constant 3072 : i32
      %dma_start3A_270 = tpu.memref_slice %arg5[%dma_start3A_269] : memref<25600xi32, #tpu.memory_space<vmem>> -> memref<1024xi32, #tpu.memory_space<vmem>>
      %dma_start3A_271 = tpu.memref_slice %arg2[%run_scoped3A_11, %mul3A_10] : memref<25x32768xi32, #tpu.memory_space<hbm>> -> memref<1x1024xi32, #tpu.memory_space<hbm>>
      %dma_start3A_272 = tpu.memref_squeeze %dma_start3A_271 : memref<1x1024xi32, #tpu.memory_space<hbm>> -> memref<1024xi32, #tpu.memory_space<hbm>>
      %dma_start3A_273 = arith.constant 3072 : i32
      %dma_start3A_274 = tpu.memref_slice %arg5[%dma_start3A_273] : memref<25600xi32, #tpu.memory_space<vmem>> -> memref<1024xi32, #tpu.memory_space<vmem>>
      %dma_start3A_275 = tpu.memref_slice %arg2[%run_scoped3A_11, %mul3A_10] : memref<25x32768xi32, #tpu.memory_space<hbm>> -> memref<1x1024xi32, #tpu.memory_space<hbm>>
      %dma_start3A_276 = tpu.memref_squeeze %dma_start3A_275 : memref<1x1024xi32, #tpu.memory_space<hbm>> -> memref<1024xi32, #tpu.memory_space<hbm>>
      tpu.enqueue_dma source(%dma_start3A_276 : memref<1024xi32, #tpu.memory_space<hbm>>) target(%dma_start3A_274 : memref<1024xi32, #tpu.memory_space<vmem>>) target_semaphore(%run_scoped3A_268 : memref<!tpu.dma_semaphore, #tpu.memory_space<semaphore_mem>>)
      %dma_wait3A_277 = arith.constant 3072 : i32
      %dma_wait3A_278 = tpu.memref_slice %arg5[%dma_wait3A_277] : memref<25600xi32, #tpu.memory_space<vmem>> -> memref<1024xi32, #tpu.memory_space<vmem>>
      %dma_wait3A_279 = tpu.memref_slice %arg2[%run_scoped3A_11, %mul3A_10] : memref<25x32768xi32, #tpu.memory_space<hbm>> -> memref<1x1024xi32, #tpu.memory_space<hbm>>
      %dma_wait3A_280 = tpu.memref_squeeze %dma_wait3A_279 : memref<1x1024xi32, #tpu.memory_space<hbm>> -> memref<1024xi32, #tpu.memory_space<hbm>>
      %dma_wait3A_281 = arith.constant 3072 : i32
      %dma_wait3A_282 = tpu.memref_slice %arg5[%dma_wait3A_281] : memref<25600xi32, #tpu.memory_space<vmem>> -> memref<1024xi32, #tpu.memory_space<vmem>>
      %dma_wait3A_283 = tpu.memref_slice %arg2[%run_scoped3A_11, %mul3A_10] : memref<25x32768xi32, #tpu.memory_space<hbm>> -> memref<1x1024xi32, #tpu.memory_space<hbm>>
      %dma_wait3A_284 = tpu.memref_squeeze %dma_wait3A_283 : memref<1x1024xi32, #tpu.memory_space<hbm>> -> memref<1024xi32, #tpu.memory_space<hbm>>
      tpu.wait_dma2 semaphore(%run_scoped3A_268 : memref<!tpu.dma_semaphore, #tpu.memory_space<semaphore_mem>>) src(%dma_wait3A_284 : memref<1024xi32, #tpu.memory_space<hbm>>) dst(%dma_wait3A_282 : memref<1024xi32, #tpu.memory_space<vmem>>)
      tpu.yield
    }) : () -> ()
    %mul3A_12 = arith.constant 1024 : i32
    %mul3A_13 = arith.muli %add3A, %mul3A_12 : i32
    %run_scoped3A_14 = arith.constant 4 : i32
    "tpu.region"() ({
      %run_scoped3A_268 = tpu.sem_alloc : memref<!tpu.dma_semaphore, #tpu.memory_space<semaphore_mem>>
      %dma_start3A_269 = arith.constant 4096 : i32
      %dma_start3A_270 = tpu.memref_slice %arg5[%dma_start3A_269] : memref<25600xi32, #tpu.memory_space<vmem>> -> memref<1024xi32, #tpu.memory_space<vmem>>
      %dma_start3A_271 = tpu.memref_slice %arg2[%run_scoped3A_14, %mul3A_13] : memref<25x32768xi32, #tpu.memory_space<hbm>> -> memref<1x1024xi32, #tpu.memory_space<hbm>>
      %dma_start3A_272 = tpu.memref_squeeze %dma_start3A_271 : memref<1x1024xi32, #tpu.memory_space<hbm>> -> memref<1024xi32, #tpu.memory_space<hbm>>
      %dma_start3A_273 = arith.constant 4096 : i32
      %dma_start3A_274 = tpu.memref_slice %arg5[%dma_start3A_273] : memref<25600xi32, #tpu.memory_space<vmem>> -> memref<1024xi32, #tpu.memory_space<vmem>>
      %dma_start3A_275 = tpu.memref_slice %arg2[%run_scoped3A_14, %mul3A_13] : memref<25x32768xi32, #tpu.memory_space<hbm>> -> memref<1x1024xi32, #tpu.memory_space<hbm>>
      %dma_start3A_276 = tpu.memref_squeeze %dma_start3A_275 : memref<1x1024xi32, #tpu.memory_space<hbm>> -> memref<1024xi32, #tpu.memory_space<hbm>>
      tpu.enqueue_dma source(%dma_start3A_276 : memref<1024xi32, #tpu.memory_space<hbm>>) target(%dma_start3A_274 : memref<1024xi32, #tpu.memory_space<vmem>>) target_semaphore(%run_scoped3A_268 : memref<!tpu.dma_semaphore, #tpu.memory_space<semaphore_mem>>)
      %dma_wait3A_277 = arith.constant 4096 : i32
      %dma_wait3A_278 = tpu.memref_slice %arg5[%dma_wait3A_277] : memref<25600xi32, #tpu.memory_space<vmem>> -> memref<1024xi32, #tpu.memory_space<vmem>>
      %dma_wait3A_279 = tpu.memref_slice %arg2[%run_scoped3A_14, %mul3A_13] : memref<25x32768xi32, #tpu.memory_space<hbm>> -> memref<1x1024xi32, #tpu.memory_space<hbm>>
      %dma_wait3A_280 = tpu.memref_squeeze %dma_wait3A_279 : memref<1x1024xi32, #tpu.memory_space<hbm>> -> memref<1024xi32, #tpu.memory_space<hbm>>
      %dma_wait3A_281 = arith.constant 4096 : i32
      %dma_wait3A_282 = tpu.memref_slice %arg5[%dma_wait3A_281] : memref<25600xi32, #tpu.memory_space<vmem>> -> memref<1024xi32, #tpu.memory_space<vmem>>
      %dma_wait3A_283 = tpu.memref_slice %arg2[%run_scoped3A_14, %mul3A_13] : memref<25x32768xi32, #tpu.memory_space<hbm>> -> memref<1x1024xi32, #tpu.memory_space<hbm>>
      %dma_wait3A_284 = tpu.memref_squeeze %dma_wait3A_283 : memref<1x1024xi32, #tpu.memory_space<hbm>> -> memref<1024xi32, #tpu.memory_space<hbm>>
      tpu.wait_dma2 semaphore(%run_scoped3A_268 : memref<!tpu.dma_semaphore, #tpu.memory_space<semaphore_mem>>) src(%dma_wait3A_284 : memref<1024xi32, #tpu.memory_space<hbm>>) dst(%dma_wait3A_282 : memref<1024xi32, #tpu.memory_space<vmem>>)
      tpu.yield
    }) : () -> ()
    %mul3A_15 = arith.constant 1024 : i32
    %mul3A_16 = arith.muli %add3A, %mul3A_15 : i32
    %run_scoped3A_17 = arith.constant 5 : i32
    "tpu.region"() ({
      %run_scoped3A_268 = tpu.sem_alloc : memref<!tpu.dma_semaphore, #tpu.memory_space<semaphore_mem>>
      %dma_start3A_269 = arith.constant 5120 : i32
      %dma_start3A_270 = tpu.memref_slice %arg5[%dma_start3A_269] : memref<25600xi32, #tpu.memory_space<vmem>> -> memref<1024xi32, #tpu.memory_space<vmem>>
      %dma_start3A_271 = tpu.memref_slice %arg2[%run_scoped3A_17, %mul3A_16] : memref<25x32768xi32, #tpu.memory_space<hbm>> -> memref<1x1024xi32, #tpu.memory_space<hbm>>
      %dma_start3A_272 = tpu.memref_squeeze %dma_start3A_271 : memref<1x1024xi32, #tpu.memory_space<hbm>> -> memref<1024xi32, #tpu.memory_space<hbm>>
      %dma_start3A_273 = arith.constant 5120 : i32
      %dma_start3A_274 = tpu.memref_slice %arg5[%dma_start3A_273] : memref<25600xi32, #tpu.memory_space<vmem>> -> memref<1024xi32, #tpu.memory_space<vmem>>
      %dma_start3A_275 = tpu.memref_slice %arg2[%run_scoped3A_17, %mul3A_16] : memref<25x32768xi32, #tpu.memory_space<hbm>> -> memref<1x1024xi32, #tpu.memory_space<hbm>>
      %dma_start3A_276 = tpu.memref_squeeze %dma_start3A_275 : memref<1x1024xi32, #tpu.memory_space<hbm>> -> memref<1024xi32, #tpu.memory_space<hbm>>
      tpu.enqueue_dma source(%dma_start3A_276 : memref<1024xi32, #tpu.memory_space<hbm>>) target(%dma_start3A_274 : memref<1024xi32, #tpu.memory_space<vmem>>) target_semaphore(%run_scoped3A_268 : memref<!tpu.dma_semaphore, #tpu.memory_space<semaphore_mem>>)
      %dma_wait3A_277 = arith.constant 5120 : i32
      %dma_wait3A_278 = tpu.memref_slice %arg5[%dma_wait3A_277] : memref<25600xi32, #tpu.memory_space<vmem>> -> memref<1024xi32, #tpu.memory_space<vmem>>
      %dma_wait3A_279 = tpu.memref_slice %arg2[%run_scoped3A_17, %mul3A_16] : memref<25x32768xi32, #tpu.memory_space<hbm>> -> memref<1x1024xi32, #tpu.memory_space<hbm>>
      %dma_wait3A_280 = tpu.memref_squeeze %dma_wait3A_279 : memref<1x1024xi32, #tpu.memory_space<hbm>> -> memref<1024xi32, #tpu.memory_space<hbm>>
      %dma_wait3A_281 = arith.constant 5120 : i32
      %dma_wait3A_282 = tpu.memref_slice %arg5[%dma_wait3A_281] : memref<25600xi32, #tpu.memory_space<vmem>> -> memref<1024xi32, #tpu.memory_space<vmem>>
      %dma_wait3A_283 = tpu.memref_slice %arg2[%run_scoped3A_17, %mul3A_16] : memref<25x32768xi32, #tpu.memory_space<hbm>> -> memref<1x1024xi32, #tpu.memory_space<hbm>>
      %dma_wait3A_284 = tpu.memref_squeeze %dma_wait3A_283 : memref<1x1024xi32, #tpu.memory_space<hbm>> -> memref<1024xi32, #tpu.memory_space<hbm>>
      tpu.wait_dma2 semaphore(%run_scoped3A_268 : memref<!tpu.dma_semaphore, #tpu.memory_space<semaphore_mem>>) src(%dma_wait3A_284 : memref<1024xi32, #tpu.memory_space<hbm>>) dst(%dma_wait3A_282 : memref<1024xi32, #tpu.memory_space<vmem>>)
      tpu.yield
    }) : () -> ()
    %mul3A_18 = arith.constant 1024 : i32
    %mul3A_19 = arith.muli %add3A, %mul3A_18 : i32
    %run_scoped3A_20 = arith.constant 6 : i32
    "tpu.region"() ({
      %run_scoped3A_268 = tpu.sem_alloc : memref<!tpu.dma_semaphore, #tpu.memory_space<semaphore_mem>>
      %dma_start3A_269 = arith.constant 6144 : i32
      %dma_start3A_270 = tpu.memref_slice %arg5[%dma_start3A_269] : memref<25600xi32, #tpu.memory_space<vmem>> -> memref<1024xi32, #tpu.memory_space<vmem>>
      %dma_start3A_271 = tpu.memref_slice %arg2[%run_scoped3A_20, %mul3A_19] : memref<25x32768xi32, #tpu.memory_space<hbm>> -> memref<1x1024xi32, #tpu.memory_space<hbm>>
      %dma_start3A_272 = tpu.memref_squeeze %dma_start3A_271 : memref<1x1024xi32, #tpu.memory_space<hbm>> -> memref<1024xi32, #tpu.memory_space<hbm>>
      %dma_start3A_273 = arith.constant 6144 : i32
      %dma_start3A_274 = tpu.memref_slice %arg5[%dma_start3A_273] : memref<25600xi32, #tpu.memory_space<vmem>> -> memref<1024xi32, #tpu.memory_space<vmem>>
      %dma_start3A_275 = tpu.memref_slice %arg2[%run_scoped3A_20, %mul3A_19] : memref<25x32768xi32, #tpu.memory_space<hbm>> -> memref<1x1024xi32, #tpu.memory_space<hbm>>
      %dma_start3A_276 = tpu.memref_squeeze %dma_start3A_275 : memref<1x1024xi32, #tpu.memory_space<hbm>> -> memref<1024xi32, #tpu.memory_space<hbm>>
      tpu.enqueue_dma source(%dma_start3A_276 : memref<1024xi32, #tpu.memory_space<hbm>>) target(%dma_start3A_274 : memref<1024xi32, #tpu.memory_space<vmem>>) target_semaphore(%run_scoped3A_268 : memref<!tpu.dma_semaphore, #tpu.memory_space<semaphore_mem>>)
      %dma_wait3A_277 = arith.constant 6144 : i32
      %dma_wait3A_278 = tpu.memref_slice %arg5[%dma_wait3A_277] : memref<25600xi32, #tpu.memory_space<vmem>> -> memref<1024xi32, #tpu.memory_space<vmem>>
      %dma_wait3A_279 = tpu.memref_slice %arg2[%run_scoped3A_20, %mul3A_19] : memref<25x32768xi32, #tpu.memory_space<hbm>> -> memref<1x1024xi32, #tpu.memory_space<hbm>>
      %dma_wait3A_280 = tpu.memref_squeeze %dma_wait3A_279 : memref<1x1024xi32, #tpu.memory_space<hbm>> -> memref<1024xi32, #tpu.memory_space<hbm>>
      %dma_wait3A_281 = arith.constant 6144 : i32
      %dma_wait3A_282 = tpu.memref_slice %arg5[%dma_wait3A_281] : memref<25600xi32, #tpu.memory_space<vmem>> -> memref<1024xi32, #tpu.memory_space<vmem>>
      %dma_wait3A_283 = tpu.memref_slice %arg2[%run_scoped3A_20, %mul3A_19] : memref<25x32768xi32, #tpu.memory_space<hbm>> -> memref<1x1024xi32, #tpu.memory_space<hbm>>
      %dma_wait3A_284 = tpu.memref_squeeze %dma_wait3A_283 : memref<1x1024xi32, #tpu.memory_space<hbm>> -> memref<1024xi32, #tpu.memory_space<hbm>>
      tpu.wait_dma2 semaphore(%run_scoped3A_268 : memref<!tpu.dma_semaphore, #tpu.memory_space<semaphore_mem>>) src(%dma_wait3A_284 : memref<1024xi32, #tpu.memory_space<hbm>>) dst(%dma_wait3A_282 : memref<1024xi32, #tpu.memory_space<vmem>>)
      tpu.yield
    }) : () -> ()
    %mul3A_21 = arith.constant 1024 : i32
    %mul3A_22 = arith.muli %add3A, %mul3A_21 : i32
    %run_scoped3A_23 = arith.constant 7 : i32
    "tpu.region"() ({
      %run_scoped3A_268 = tpu.sem_alloc : memref<!tpu.dma_semaphore, #tpu.memory_space<semaphore_mem>>
      %dma_start3A_269 = arith.constant 7168 : i32
      %dma_start3A_270 = tpu.memref_slice %arg5[%dma_start3A_269] : memref<25600xi32, #tpu.memory_space<vmem>> -> memref<1024xi32, #tpu.memory_space<vmem>>
      %dma_start3A_271 = tpu.memref_slice %arg2[%run_scoped3A_23, %mul3A_22] : memref<25x32768xi32, #tpu.memory_space<hbm>> -> memref<1x1024xi32, #tpu.memory_space<hbm>>
      %dma_start3A_272 = tpu.memref_squeeze %dma_start3A_271 : memref<1x1024xi32, #tpu.memory_space<hbm>> -> memref<1024xi32, #tpu.memory_space<hbm>>
      %dma_start3A_273 = arith.constant 7168 : i32
      %dma_start3A_274 = tpu.memref_slice %arg5[%dma_start3A_273] : memref<25600xi32, #tpu.memory_space<vmem>> -> memref<1024xi32, #tpu.memory_space<vmem>>
      %dma_start3A_275 = tpu.memref_slice %arg2[%run_scoped3A_23, %mul3A_22] : memref<25x32768xi32, #tpu.memory_space<hbm>> -> memref<1x1024xi32, #tpu.memory_space<hbm>>
      %dma_start3A_276 = tpu.memref_squeeze %dma_start3A_275 : memref<1x1024xi32, #tpu.memory_space<hbm>> -> memref<1024xi32, #tpu.memory_space<hbm>>
      tpu.enqueue_dma source(%dma_start3A_276 : memref<1024xi32, #tpu.memory_space<hbm>>) target(%dma_start3A_274 : memref<1024xi32, #tpu.memory_space<vmem>>) target_semaphore(%run_scoped3A_268 : memref<!tpu.dma_semaphore, #tpu.memory_space<semaphore_mem>>)
      %dma_wait3A_277 = arith.constant 7168 : i32
      %dma_wait3A_278 = tpu.memref_slice %arg5[%dma_wait3A_277] : memref<25600xi32, #tpu.memory_space<vmem>> -> memref<1024xi32, #tpu.memory_space<vmem>>
      %dma_wait3A_279 = tpu.memref_slice %arg2[%run_scoped3A_23, %mul3A_22] : memref<25x32768xi32, #tpu.memory_space<hbm>> -> memref<1x1024xi32, #tpu.memory_space<hbm>>
      %dma_wait3A_280 = tpu.memref_squeeze %dma_wait3A_279 : memref<1x1024xi32, #tpu.memory_space<hbm>> -> memref<1024xi32, #tpu.memory_space<hbm>>
      %dma_wait3A_281 = arith.constant 7168 : i32
      %dma_wait3A_282 = tpu.memref_slice %arg5[%dma_wait3A_281] : memref<25600xi32, #tpu.memory_space<vmem>> -> memref<1024xi32, #tpu.memory_space<vmem>>
      %dma_wait3A_283 = tpu.memref_slice %arg2[%run_scoped3A_23, %mul3A_22] : memref<25x32768xi32, #tpu.memory_space<hbm>> -> memref<1x1024xi32, #tpu.memory_space<hbm>>
      %dma_wait3A_284 = tpu.memref_squeeze %dma_wait3A_283 : memref<1x1024xi32, #tpu.memory_space<hbm>> -> memref<1024xi32, #tpu.memory_space<hbm>>
      tpu.wait_dma2 semaphore(%run_scoped3A_268 : memref<!tpu.dma_semaphore, #tpu.memory_space<semaphore_mem>>) src(%dma_wait3A_284 : memref<1024xi32, #tpu.memory_space<hbm>>) dst(%dma_wait3A_282 : memref<1024xi32, #tpu.memory_space<vmem>>)
      tpu.yield
    }) : () -> ()
    %mul3A_24 = arith.constant 1024 : i32
    %mul3A_25 = arith.muli %add3A, %mul3A_24 : i32
    %run_scoped3A_26 = arith.constant 8 : i32
    "tpu.region"() ({
      %run_scoped3A_268 = tpu.sem_alloc : memref<!tpu.dma_semaphore, #tpu.memory_space<semaphore_mem>>
      %dma_start3A_269 = arith.constant 8192 : i32
      %dma_start3A_270 = tpu.memref_slice %arg5[%dma_start3A_269] : memref<25600xi32, #tpu.memory_space<vmem>> -> memref<1024xi32, #tpu.memory_space<vmem>>
      %dma_start3A_271 = tpu.memref_slice %arg2[%run_scoped3A_26, %mul3A_25] : memref<25x32768xi32, #tpu.memory_space<hbm>> -> memref<1x1024xi32, #tpu.memory_space<hbm>>
      %dma_start3A_272 = tpu.memref_squeeze %dma_start3A_271 : memref<1x1024xi32, #tpu.memory_space<hbm>> -> memref<1024xi32, #tpu.memory_space<hbm>>
      %dma_start3A_273 = arith.constant 8192 : i32
      %dma_start3A_274 = tpu.memref_slice %arg5[%dma_start3A_273] : memref<25600xi32, #tpu.memory_space<vmem>> -> memref<1024xi32, #tpu.memory_space<vmem>>
      %dma_start3A_275 = tpu.memref_slice %arg2[%run_scoped3A_26, %mul3A_25] : memref<25x32768xi32, #tpu.memory_space<hbm>> -> memref<1x1024xi32, #tpu.memory_space<hbm>>
      %dma_start3A_276 = tpu.memref_squeeze %dma_start3A_275 : memref<1x1024xi32, #tpu.memory_space<hbm>> -> memref<1024xi32, #tpu.memory_space<hbm>>
      tpu.enqueue_dma source(%dma_start3A_276 : memref<1024xi32, #tpu.memory_space<hbm>>) target(%dma_start3A_274 : memref<1024xi32, #tpu.memory_space<vmem>>) target_semaphore(%run_scoped3A_268 : memref<!tpu.dma_semaphore, #tpu.memory_space<semaphore_mem>>)
      %dma_wait3A_277 = arith.constant 8192 : i32
      %dma_wait3A_278 = tpu.memref_slice %arg5[%dma_wait3A_277] : memref<25600xi32, #tpu.memory_space<vmem>> -> memref<1024xi32, #tpu.memory_space<vmem>>
      %dma_wait3A_279 = tpu.memref_slice %arg2[%run_scoped3A_26, %mul3A_25] : memref<25x32768xi32, #tpu.memory_space<hbm>> -> memref<1x1024xi32, #tpu.memory_space<hbm>>
      %dma_wait3A_280 = tpu.memref_squeeze %dma_wait3A_279 : memref<1x1024xi32, #tpu.memory_space<hbm>> -> memref<1024xi32, #tpu.memory_space<hbm>>
      %dma_wait3A_281 = arith.constant 8192 : i32
      %dma_wait3A_282 = tpu.memref_slice %arg5[%dma_wait3A_281] : memref<25600xi32, #tpu.memory_space<vmem>> -> memref<1024xi32, #tpu.memory_space<vmem>>
      %dma_wait3A_283 = tpu.memref_slice %arg2[%run_scoped3A_26, %mul3A_25] : memref<25x32768xi32, #tpu.memory_space<hbm>> -> memref<1x1024xi32, #tpu.memory_space<hbm>>
      %dma_wait3A_284 = tpu.memref_squeeze %dma_wait3A_283 : memref<1x1024xi32, #tpu.memory_space<hbm>> -> memref<1024xi32, #tpu.memory_space<hbm>>
      tpu.wait_dma2 semaphore(%run_scoped3A_268 : memref<!tpu.dma_semaphore, #tpu.memory_space<semaphore_mem>>) src(%dma_wait3A_284 : memref<1024xi32, #tpu.memory_space<hbm>>) dst(%dma_wait3A_282 : memref<1024xi32, #tpu.memory_space<vmem>>)
      tpu.yield
    }) : () -> ()
    %mul3A_27 = arith.constant 1024 : i32
    %mul3A_28 = arith.muli %add3A, %mul3A_27 : i32
    %run_scoped3A_29 = arith.constant 9 : i32
    "tpu.region"() ({
      %run_scoped3A_268 = tpu.sem_alloc : memref<!tpu.dma_semaphore, #tpu.memory_space<semaphore_mem>>
      %dma_start3A_269 = arith.constant 9216 : i32
      %dma_start3A_270 = tpu.memref_slice %arg5[%dma_start3A_269] : memref<25600xi32, #tpu.memory_space<vmem>> -> memref<1024xi32, #tpu.memory_space<vmem>>
      %dma_start3A_271 = tpu.memref_slice %arg2[%run_scoped3A_29, %mul3A_28] : memref<25x32768xi32, #tpu.memory_space<hbm>> -> memref<1x1024xi32, #tpu.memory_space<hbm>>
      %dma_start3A_272 = tpu.memref_squeeze %dma_start3A_271 : memref<1x1024xi32, #tpu.memory_space<hbm>> -> memref<1024xi32, #tpu.memory_space<hbm>>
      %dma_start3A_273 = arith.constant 9216 : i32
      %dma_start3A_274 = tpu.memref_slice %arg5[%dma_start3A_273] : memref<25600xi32, #tpu.memory_space<vmem>> -> memref<1024xi32, #tpu.memory_space<vmem>>
      %dma_start3A_275 = tpu.memref_slice %arg2[%run_scoped3A_29, %mul3A_28] : memref<25x32768xi32, #tpu.memory_space<hbm>> -> memref<1x1024xi32, #tpu.memory_space<hbm>>
      %dma_start3A_276 = tpu.memref_squeeze %dma_start3A_275 : memref<1x1024xi32, #tpu.memory_space<hbm>> -> memref<1024xi32, #tpu.memory_space<hbm>>
      tpu.enqueue_dma source(%dma_start3A_276 : memref<1024xi32, #tpu.memory_space<hbm>>) target(%dma_start3A_274 : memref<1024xi32, #tpu.memory_space<vmem>>) target_semaphore(%run_scoped3A_268 : memref<!tpu.dma_semaphore, #tpu.memory_space<semaphore_mem>>)
      %dma_wait3A_277 = arith.constant 9216 : i32
      %dma_wait3A_278 = tpu.memref_slice %arg5[%dma_wait3A_277] : memref<25600xi32, #tpu.memory_space<vmem>> -> memref<1024xi32, #tpu.memory_space<vmem>>
      %dma_wait3A_279 = tpu.memref_slice %arg2[%run_scoped3A_29, %mul3A_28] : memref<25x32768xi32, #tpu.memory_space<hbm>> -> memref<1x1024xi32, #tpu.memory_space<hbm>>
      %dma_wait3A_280 = tpu.memref_squeeze %dma_wait3A_279 : memref<1x1024xi32, #tpu.memory_space<hbm>> -> memref<1024xi32, #tpu.memory_space<hbm>>
      %dma_wait3A_281 = arith.constant 9216 : i32
      %dma_wait3A_282 = tpu.memref_slice %arg5[%dma_wait3A_281] : memref<25600xi32, #tpu.memory_space<vmem>> -> memref<1024xi32, #tpu.memory_space<vmem>>
      %dma_wait3A_283 = tpu.memref_slice %arg2[%run_scoped3A_29, %mul3A_28] : memref<25x32768xi32, #tpu.memory_space<hbm>> -> memref<1x1024xi32, #tpu.memory_space<hbm>>
      %dma_wait3A_284 = tpu.memref_squeeze %dma_wait3A_283 : memref<1x1024xi32, #tpu.memory_space<hbm>> -> memref<1024xi32, #tpu.memory_space<hbm>>
      tpu.wait_dma2 semaphore(%run_scoped3A_268 : memref<!tpu.dma_semaphore, #tpu.memory_space<semaphore_mem>>) src(%dma_wait3A_284 : memref<1024xi32, #tpu.memory_space<hbm>>) dst(%dma_wait3A_282 : memref<1024xi32, #tpu.memory_space<vmem>>)
      tpu.yield
    }) : () -> ()
    %mul3A_30 = arith.constant 1024 : i32
    %mul3A_31 = arith.muli %add3A, %mul3A_30 : i32
    %run_scoped3A_32 = arith.constant 10 : i32
    "tpu.region"() ({
      %run_scoped3A_268 = tpu.sem_alloc : memref<!tpu.dma_semaphore, #tpu.memory_space<semaphore_mem>>
      %dma_start3A_269 = arith.constant 10240 : i32
      %dma_start3A_270 = tpu.memref_slice %arg5[%dma_start3A_269] : memref<25600xi32, #tpu.memory_space<vmem>> -> memref<1024xi32, #tpu.memory_space<vmem>>
      %dma_start3A_271 = tpu.memref_slice %arg2[%run_scoped3A_32, %mul3A_31] : memref<25x32768xi32, #tpu.memory_space<hbm>> -> memref<1x1024xi32, #tpu.memory_space<hbm>>
      %dma_start3A_272 = tpu.memref_squeeze %dma_start3A_271 : memref<1x1024xi32, #tpu.memory_space<hbm>> -> memref<1024xi32, #tpu.memory_space<hbm>>
      %dma_start3A_273 = arith.constant 10240 : i32
      %dma_start3A_274 = tpu.memref_slice %arg5[%dma_start3A_273] : memref<25600xi32, #tpu.memory_space<vmem>> -> memref<1024xi32, #tpu.memory_space<vmem>>
      %dma_start3A_275 = tpu.memref_slice %arg2[%run_scoped3A_32, %mul3A_31] : memref<25x32768xi32, #tpu.memory_space<hbm>> -> memref<1x1024xi32, #tpu.memory_space<hbm>>
      %dma_start3A_276 = tpu.memref_squeeze %dma_start3A_275 : memref<1x1024xi32, #tpu.memory_space<hbm>> -> memref<1024xi32, #tpu.memory_space<hbm>>
      tpu.enqueue_dma source(%dma_start3A_276 : memref<1024xi32, #tpu.memory_space<hbm>>) target(%dma_start3A_274 : memref<1024xi32, #tpu.memory_space<vmem>>) target_semaphore(%run_scoped3A_268 : memref<!tpu.dma_semaphore, #tpu.memory_space<semaphore_mem>>)
      %dma_wait3A_277 = arith.constant 10240 : i32
      %dma_wait3A_278 = tpu.memref_slice %arg5[%dma_wait3A_277] : memref<25600xi32, #tpu.memory_space<vmem>> -> memref<1024xi32, #tpu.memory_space<vmem>>
      %dma_wait3A_279 = tpu.memref_slice %arg2[%run_scoped3A_32, %mul3A_31] : memref<25x32768xi32, #tpu.memory_space<hbm>> -> memref<1x1024xi32, #tpu.memory_space<hbm>>
      %dma_wait3A_280 = tpu.memref_squeeze %dma_wait3A_279 : memref<1x1024xi32, #tpu.memory_space<hbm>> -> memref<1024xi32, #tpu.memory_space<hbm>>
      %dma_wait3A_281 = arith.constant 10240 : i32
      %dma_wait3A_282 = tpu.memref_slice %arg5[%dma_wait3A_281] : memref<25600xi32, #tpu.memory_space<vmem>> -> memref<1024xi32, #tpu.memory_space<vmem>>
      %dma_wait3A_283 = tpu.memref_slice %arg2[%run_scoped3A_32, %mul3A_31] : memref<25x32768xi32, #tpu.memory_space<hbm>> -> memref<1x1024xi32, #tpu.memory_space<hbm>>
      %dma_wait3A_284 = tpu.memref_squeeze %dma_wait3A_283 : memref<1x1024xi32, #tpu.memory_space<hbm>> -> memref<1024xi32, #tpu.memory_space<hbm>>
      tpu.wait_dma2 semaphore(%run_scoped3A_268 : memref<!tpu.dma_semaphore, #tpu.memory_space<semaphore_mem>>) src(%dma_wait3A_284 : memref<1024xi32, #tpu.memory_space<hbm>>) dst(%dma_wait3A_282 : memref<1024xi32, #tpu.memory_space<vmem>>)
      tpu.yield
    }) : () -> ()
    %mul3A_33 = arith.constant 1024 : i32
    %mul3A_34 = arith.muli %add3A, %mul3A_33 : i32
    %run_scoped3A_35 = arith.constant 11 : i32
    "tpu.region"() ({
      %run_scoped3A_268 = tpu.sem_alloc : memref<!tpu.dma_semaphore, #tpu.memory_space<semaphore_mem>>
      %dma_start3A_269 = arith.constant 11264 : i32
      %dma_start3A_270 = tpu.memref_slice %arg5[%dma_start3A_269] : memref<25600xi32, #tpu.memory_space<vmem>> -> memref<1024xi32, #tpu.memory_space<vmem>>
      %dma_start3A_271 = tpu.memref_slice %arg2[%run_scoped3A_35, %mul3A_34] : memref<25x32768xi32, #tpu.memory_space<hbm>> -> memref<1x1024xi32, #tpu.memory_space<hbm>>
      %dma_start3A_272 = tpu.memref_squeeze %dma_start3A_271 : memref<1x1024xi32, #tpu.memory_space<hbm>> -> memref<1024xi32, #tpu.memory_space<hbm>>
      %dma_start3A_273 = arith.constant 11264 : i32
      %dma_start3A_274 = tpu.memref_slice %arg5[%dma_start3A_273] : memref<25600xi32, #tpu.memory_space<vmem>> -> memref<1024xi32, #tpu.memory_space<vmem>>
      %dma_start3A_275 = tpu.memref_slice %arg2[%run_scoped3A_35, %mul3A_34] : memref<25x32768xi32, #tpu.memory_space<hbm>> -> memref<1x1024xi32, #tpu.memory_space<hbm>>
      %dma_start3A_276 = tpu.memref_squeeze %dma_start3A_275 : memref<1x1024xi32, #tpu.memory_space<hbm>> -> memref<1024xi32, #tpu.memory_space<hbm>>
      tpu.enqueue_dma source(%dma_start3A_276 : memref<1024xi32, #tpu.memory_space<hbm>>) target(%dma_start3A_274 : memref<1024xi32, #tpu.memory_space<vmem>>) target_semaphore(%run_scoped3A_268 : memref<!tpu.dma_semaphore, #tpu.memory_space<semaphore_mem>>)
      %dma_wait3A_277 = arith.constant 11264 : i32
      %dma_wait3A_278 = tpu.memref_slice %arg5[%dma_wait3A_277] : memref<25600xi32, #tpu.memory_space<vmem>> -> memref<1024xi32, #tpu.memory_space<vmem>>
      %dma_wait3A_279 = tpu.memref_slice %arg2[%run_scoped3A_35, %mul3A_34] : memref<25x32768xi32, #tpu.memory_space<hbm>> -> memref<1x1024xi32, #tpu.memory_space<hbm>>
      %dma_wait3A_280 = tpu.memref_squeeze %dma_wait3A_279 : memref<1x1024xi32, #tpu.memory_space<hbm>> -> memref<1024xi32, #tpu.memory_space<hbm>>
      %dma_wait3A_281 = arith.constant 11264 : i32
      %dma_wait3A_282 = tpu.memref_slice %arg5[%dma_wait3A_281] : memref<25600xi32, #tpu.memory_space<vmem>> -> memref<1024xi32, #tpu.memory_space<vmem>>
      %dma_wait3A_283 = tpu.memref_slice %arg2[%run_scoped3A_35, %mul3A_34] : memref<25x32768xi32, #tpu.memory_space<hbm>> -> memref<1x1024xi32, #tpu.memory_space<hbm>>
      %dma_wait3A_284 = tpu.memref_squeeze %dma_wait3A_283 : memref<1x1024xi32, #tpu.memory_space<hbm>> -> memref<1024xi32, #tpu.memory_space<hbm>>
      tpu.wait_dma2 semaphore(%run_scoped3A_268 : memref<!tpu.dma_semaphore, #tpu.memory_space<semaphore_mem>>) src(%dma_wait3A_284 : memref<1024xi32, #tpu.memory_space<hbm>>) dst(%dma_wait3A_282 : memref<1024xi32, #tpu.memory_space<vmem>>)
      tpu.yield
    }) : () -> ()
    %mul3A_36 = arith.constant 1024 : i32
    %mul3A_37 = arith.muli %add3A, %mul3A_36 : i32
    %run_scoped3A_38 = arith.constant 12 : i32
    "tpu.region"() ({
      %run_scoped3A_268 = tpu.sem_alloc : memref<!tpu.dma_semaphore, #tpu.memory_space<semaphore_mem>>
      %dma_start3A_269 = arith.constant 12288 : i32
      %dma_start3A_270 = tpu.memref_slice %arg5[%dma_start3A_269] : memref<25600xi32, #tpu.memory_space<vmem>> -> memref<1024xi32, #tpu.memory_space<vmem>>
      %dma_start3A_271 = tpu.memref_slice %arg2[%run_scoped3A_38, %mul3A_37] : memref<25x32768xi32, #tpu.memory_space<hbm>> -> memref<1x1024xi32, #tpu.memory_space<hbm>>
      %dma_start3A_272 = tpu.memref_squeeze %dma_start3A_271 : memref<1x1024xi32, #tpu.memory_space<hbm>> -> memref<1024xi32, #tpu.memory_space<hbm>>
      %dma_start3A_273 = arith.constant 12288 : i32
      %dma_start3A_274 = tpu.memref_slice %arg5[%dma_start3A_273] : memref<25600xi32, #tpu.memory_space<vmem>> -> memref<1024xi32, #tpu.memory_space<vmem>>
      %dma_start3A_275 = tpu.memref_slice %arg2[%run_scoped3A_38, %mul3A_37] : memref<25x32768xi32, #tpu.memory_space<hbm>> -> memref<1x1024xi32, #tpu.memory_space<hbm>>
      %dma_start3A_276 = tpu.memref_squeeze %dma_start3A_275 : memref<1x1024xi32, #tpu.memory_space<hbm>> -> memref<1024xi32, #tpu.memory_space<hbm>>
      tpu.enqueue_dma source(%dma_start3A_276 : memref<1024xi32, #tpu.memory_space<hbm>>) target(%dma_start3A_274 : memref<1024xi32, #tpu.memory_space<vmem>>) target_semaphore(%run_scoped3A_268 : memref<!tpu.dma_semaphore, #tpu.memory_space<semaphore_mem>>)
      %dma_wait3A_277 = arith.constant 12288 : i32
      %dma_wait3A_278 = tpu.memref_slice %arg5[%dma_wait3A_277] : memref<25600xi32, #tpu.memory_space<vmem>> -> memref<1024xi32, #tpu.memory_space<vmem>>
      %dma_wait3A_279 = tpu.memref_slice %arg2[%run_scoped3A_38, %mul3A_37] : memref<25x32768xi32, #tpu.memory_space<hbm>> -> memref<1x1024xi32, #tpu.memory_space<hbm>>
      %dma_wait3A_280 = tpu.memref_squeeze %dma_wait3A_279 : memref<1x1024xi32, #tpu.memory_space<hbm>> -> memref<1024xi32, #tpu.memory_space<hbm>>
      %dma_wait3A_281 = arith.constant 12288 : i32
      %dma_wait3A_282 = tpu.memref_slice %arg5[%dma_wait3A_281] : memref<25600xi32, #tpu.memory_space<vmem>> -> memref<1024xi32, #tpu.memory_space<vmem>>
      %dma_wait3A_283 = tpu.memref_slice %arg2[%run_scoped3A_38, %mul3A_37] : memref<25x32768xi32, #tpu.memory_space<hbm>> -> memref<1x1024xi32, #tpu.memory_space<hbm>>
      %dma_wait3A_284 = tpu.memref_squeeze %dma_wait3A_283 : memref<1x1024xi32, #tpu.memory_space<hbm>> -> memref<1024xi32, #tpu.memory_space<hbm>>
      tpu.wait_dma2 semaphore(%run_scoped3A_268 : memref<!tpu.dma_semaphore, #tpu.memory_space<semaphore_mem>>) src(%dma_wait3A_284 : memref<1024xi32, #tpu.memory_space<hbm>>) dst(%dma_wait3A_282 : memref<1024xi32, #tpu.memory_space<vmem>>)
      tpu.yield
    }) : () -> ()
    %mul3A_39 = arith.constant 1024 : i32
    %mul3A_40 = arith.muli %add3A, %mul3A_39 : i32
    %run_scoped3A_41 = arith.constant 13 : i32
    "tpu.region"() ({
      %run_scoped3A_268 = tpu.sem_alloc : memref<!tpu.dma_semaphore, #tpu.memory_space<semaphore_mem>>
      %dma_start3A_269 = arith.constant 13312 : i32
      %dma_start3A_270 = tpu.memref_slice %arg5[%dma_start3A_269] : memref<25600xi32, #tpu.memory_space<vmem>> -> memref<1024xi32, #tpu.memory_space<vmem>>
      %dma_start3A_271 = tpu.memref_slice %arg2[%run_scoped3A_41, %mul3A_40] : memref<25x32768xi32, #tpu.memory_space<hbm>> -> memref<1x1024xi32, #tpu.memory_space<hbm>>
      %dma_start3A_272 = tpu.memref_squeeze %dma_start3A_271 : memref<1x1024xi32, #tpu.memory_space<hbm>> -> memref<1024xi32, #tpu.memory_space<hbm>>
      %dma_start3A_273 = arith.constant 13312 : i32
      %dma_start3A_274 = tpu.memref_slice %arg5[%dma_start3A_273] : memref<25600xi32, #tpu.memory_space<vmem>> -> memref<1024xi32, #tpu.memory_space<vmem>>
      %dma_start3A_275 = tpu.memref_slice %arg2[%run_scoped3A_41, %mul3A_40] : memref<25x32768xi32, #tpu.memory_space<hbm>> -> memref<1x1024xi32, #tpu.memory_space<hbm>>
      %dma_start3A_276 = tpu.memref_squeeze %dma_start3A_275 : memref<1x1024xi32, #tpu.memory_space<hbm>> -> memref<1024xi32, #tpu.memory_space<hbm>>
      tpu.enqueue_dma source(%dma_start3A_276 : memref<1024xi32, #tpu.memory_space<hbm>>) target(%dma_start3A_274 : memref<1024xi32, #tpu.memory_space<vmem>>) target_semaphore(%run_scoped3A_268 : memref<!tpu.dma_semaphore, #tpu.memory_space<semaphore_mem>>)
      %dma_wait3A_277 = arith.constant 13312 : i32
      %dma_wait3A_278 = tpu.memref_slice %arg5[%dma_wait3A_277] : memref<25600xi32, #tpu.memory_space<vmem>> -> memref<1024xi32, #tpu.memory_space<vmem>>
      %dma_wait3A_279 = tpu.memref_slice %arg2[%run_scoped3A_41, %mul3A_40] : memref<25x32768xi32, #tpu.memory_space<hbm>> -> memref<1x1024xi32, #tpu.memory_space<hbm>>
      %dma_wait3A_280 = tpu.memref_squeeze %dma_wait3A_279 : memref<1x1024xi32, #tpu.memory_space<hbm>> -> memref<1024xi32, #tpu.memory_space<hbm>>
      %dma_wait3A_281 = arith.constant 13312 : i32
      %dma_wait3A_282 = tpu.memref_slice %arg5[%dma_wait3A_281] : memref<25600xi32, #tpu.memory_space<vmem>> -> memref<1024xi32, #tpu.memory_space<vmem>>
      %dma_wait3A_283 = tpu.memref_slice %arg2[%run_scoped3A_41, %mul3A_40] : memref<25x32768xi32, #tpu.memory_space<hbm>> -> memref<1x1024xi32, #tpu.memory_space<hbm>>
      %dma_wait3A_284 = tpu.memref_squeeze %dma_wait3A_283 : memref<1x1024xi32, #tpu.memory_space<hbm>> -> memref<1024xi32, #tpu.memory_space<hbm>>
      tpu.wait_dma2 semaphore(%run_scoped3A_268 : memref<!tpu.dma_semaphore, #tpu.memory_space<semaphore_mem>>) src(%dma_wait3A_284 : memref<1024xi32, #tpu.memory_space<hbm>>) dst(%dma_wait3A_282 : memref<1024xi32, #tpu.memory_space<vmem>>)
      tpu.yield
    }) : () -> ()
    %mul3A_42 = arith.constant 1024 : i32
    %mul3A_43 = arith.muli %add3A, %mul3A_42 : i32
    %run_scoped3A_44 = arith.constant 14 : i32
    "tpu.region"() ({
      %run_scoped3A_268 = tpu.sem_alloc : memref<!tpu.dma_semaphore, #tpu.memory_space<semaphore_mem>>
      %dma_start3A_269 = arith.constant 14336 : i32
      %dma_start3A_270 = tpu.memref_slice %arg5[%dma_start3A_269] : memref<25600xi32, #tpu.memory_space<vmem>> -> memref<1024xi32, #tpu.memory_space<vmem>>
      %dma_start3A_271 = tpu.memref_slice %arg2[%run_scoped3A_44, %mul3A_43] : memref<25x32768xi32, #tpu.memory_space<hbm>> -> memref<1x1024xi32, #tpu.memory_space<hbm>>
      %dma_start3A_272 = tpu.memref_squeeze %dma_start3A_271 : memref<1x1024xi32, #tpu.memory_space<hbm>> -> memref<1024xi32, #tpu.memory_space<hbm>>
      %dma_start3A_273 = arith.constant 14336 : i32
      %dma_start3A_274 = tpu.memref_slice %arg5[%dma_start3A_273] : memref<25600xi32, #tpu.memory_space<vmem>> -> memref<1024xi32, #tpu.memory_space<vmem>>
      %dma_start3A_275 = tpu.memref_slice %arg2[%run_scoped3A_44, %mul3A_43] : memref<25x32768xi32, #tpu.memory_space<hbm>> -> memref<1x1024xi32, #tpu.memory_space<hbm>>
      %dma_start3A_276 = tpu.memref_squeeze %dma_start3A_275 : memref<1x1024xi32, #tpu.memory_space<hbm>> -> memref<1024xi32, #tpu.memory_space<hbm>>
      tpu.enqueue_dma source(%dma_start3A_276 : memref<1024xi32, #tpu.memory_space<hbm>>) target(%dma_start3A_274 : memref<1024xi32, #tpu.memory_space<vmem>>) target_semaphore(%run_scoped3A_268 : memref<!tpu.dma_semaphore, #tpu.memory_space<semaphore_mem>>)
      %dma_wait3A_277 = arith.constant 14336 : i32
      %dma_wait3A_278 = tpu.memref_slice %arg5[%dma_wait3A_277] : memref<25600xi32, #tpu.memory_space<vmem>> -> memref<1024xi32, #tpu.memory_space<vmem>>
      %dma_wait3A_279 = tpu.memref_slice %arg2[%run_scoped3A_44, %mul3A_43] : memref<25x32768xi32, #tpu.memory_space<hbm>> -> memref<1x1024xi32, #tpu.memory_space<hbm>>
      %dma_wait3A_280 = tpu.memref_squeeze %dma_wait3A_279 : memref<1x1024xi32, #tpu.memory_space<hbm>> -> memref<1024xi32, #tpu.memory_space<hbm>>
      %dma_wait3A_281 = arith.constant 14336 : i32
      %dma_wait3A_282 = tpu.memref_slice %arg5[%dma_wait3A_281] : memref<25600xi32, #tpu.memory_space<vmem>> -> memref<1024xi32, #tpu.memory_space<vmem>>
      %dma_wait3A_283 = tpu.memref_slice %arg2[%run_scoped3A_44, %mul3A_43] : memref<25x32768xi32, #tpu.memory_space<hbm>> -> memref<1x1024xi32, #tpu.memory_space<hbm>>
      %dma_wait3A_284 = tpu.memref_squeeze %dma_wait3A_283 : memref<1x1024xi32, #tpu.memory_space<hbm>> -> memref<1024xi32, #tpu.memory_space<hbm>>
      tpu.wait_dma2 semaphore(%run_scoped3A_268 : memref<!tpu.dma_semaphore, #tpu.memory_space<semaphore_mem>>) src(%dma_wait3A_284 : memref<1024xi32, #tpu.memory_space<hbm>>) dst(%dma_wait3A_282 : memref<1024xi32, #tpu.memory_space<vmem>>)
      tpu.yield
    }) : () -> ()
    %mul3A_45 = arith.constant 1024 : i32
    %mul3A_46 = arith.muli %add3A, %mul3A_45 : i32
    %run_scoped3A_47 = arith.constant 15 : i32
    "tpu.region"() ({
      %run_scoped3A_268 = tpu.sem_alloc : memref<!tpu.dma_semaphore, #tpu.memory_space<semaphore_mem>>
      %dma_start3A_269 = arith.constant 15360 : i32
      %dma_start3A_270 = tpu.memref_slice %arg5[%dma_start3A_269] : memref<25600xi32, #tpu.memory_space<vmem>> -> memref<1024xi32, #tpu.memory_space<vmem>>
      %dma_start3A_271 = tpu.memref_slice %arg2[%run_scoped3A_47, %mul3A_46] : memref<25x32768xi32, #tpu.memory_space<hbm>> -> memref<1x1024xi32, #tpu.memory_space<hbm>>
      %dma_start3A_272 = tpu.memref_squeeze %dma_start3A_271 : memref<1x1024xi32, #tpu.memory_space<hbm>> -> memref<1024xi32, #tpu.memory_space<hbm>>
      %dma_start3A_273 = arith.constant 15360 : i32
      %dma_start3A_274 = tpu.memref_slice %arg5[%dma_start3A_273] : memref<25600xi32, #tpu.memory_space<vmem>> -> memref<1024xi32, #tpu.memory_space<vmem>>
      %dma_start3A_275 = tpu.memref_slice %arg2[%run_scoped3A_47, %mul3A_46] : memref<25x32768xi32, #tpu.memory_space<hbm>> -> memref<1x1024xi32, #tpu.memory_space<hbm>>
      %dma_start3A_276 = tpu.memref_squeeze %dma_start3A_275 : memref<1x1024xi32, #tpu.memory_space<hbm>> -> memref<1024xi32, #tpu.memory_space<hbm>>
      tpu.enqueue_dma source(%dma_start3A_276 : memref<1024xi32, #tpu.memory_space<hbm>>) target(%dma_start3A_274 : memref<1024xi32, #tpu.memory_space<vmem>>) target_semaphore(%run_scoped3A_268 : memref<!tpu.dma_semaphore, #tpu.memory_space<semaphore_mem>>)
      %dma_wait3A_277 = arith.constant 15360 : i32
      %dma_wait3A_278 = tpu.memref_slice %arg5[%dma_wait3A_277] : memref<25600xi32, #tpu.memory_space<vmem>> -> memref<1024xi32, #tpu.memory_space<vmem>>
      %dma_wait3A_279 = tpu.memref_slice %arg2[%run_scoped3A_47, %mul3A_46] : memref<25x32768xi32, #tpu.memory_space<hbm>> -> memref<1x1024xi32, #tpu.memory_space<hbm>>
      %dma_wait3A_280 = tpu.memref_squeeze %dma_wait3A_279 : memref<1x1024xi32, #tpu.memory_space<hbm>> -> memref<1024xi32, #tpu.memory_space<hbm>>
      %dma_wait3A_281 = arith.constant 15360 : i32
      %dma_wait3A_282 = tpu.memref_slice %arg5[%dma_wait3A_281] : memref<25600xi32, #tpu.memory_space<vmem>> -> memref<1024xi32, #tpu.memory_space<vmem>>
      %dma_wait3A_283 = tpu.memref_slice %arg2[%run_scoped3A_47, %mul3A_46] : memref<25x32768xi32, #tpu.memory_space<hbm>> -> memref<1x1024xi32, #tpu.memory_space<hbm>>
      %dma_wait3A_284 = tpu.memref_squeeze %dma_wait3A_283 : memref<1x1024xi32, #tpu.memory_space<hbm>> -> memref<1024xi32, #tpu.memory_space<hbm>>
      tpu.wait_dma2 semaphore(%run_scoped3A_268 : memref<!tpu.dma_semaphore, #tpu.memory_space<semaphore_mem>>) src(%dma_wait3A_284 : memref<1024xi32, #tpu.memory_space<hbm>>) dst(%dma_wait3A_282 : memref<1024xi32, #tpu.memory_space<vmem>>)
      tpu.yield
    }) : () -> ()
    %mul3A_48 = arith.constant 1024 : i32
    %mul3A_49 = arith.muli %add3A, %mul3A_48 : i32
    %run_scoped3A_50 = arith.constant 16 : i32
    "tpu.region"() ({
      %run_scoped3A_268 = tpu.sem_alloc : memref<!tpu.dma_semaphore, #tpu.memory_space<semaphore_mem>>
      %dma_start3A_269 = arith.constant 16384 : i32
      %dma_start3A_270 = tpu.memref_slice %arg5[%dma_start3A_269] : memref<25600xi32, #tpu.memory_space<vmem>> -> memref<1024xi32, #tpu.memory_space<vmem>>
      %dma_start3A_271 = tpu.memref_slice %arg2[%run_scoped3A_50, %mul3A_49] : memref<25x32768xi32, #tpu.memory_space<hbm>> -> memref<1x1024xi32, #tpu.memory_space<hbm>>
      %dma_start3A_272 = tpu.memref_squeeze %dma_start3A_271 : memref<1x1024xi32, #tpu.memory_space<hbm>> -> memref<1024xi32, #tpu.memory_space<hbm>>
      %dma_start3A_273 = arith.constant 16384 : i32
      %dma_start3A_274 = tpu.memref_slice %arg5[%dma_start3A_273] : memref<25600xi32, #tpu.memory_space<vmem>> -> memref<1024xi32, #tpu.memory_space<vmem>>
      %dma_start3A_275 = tpu.memref_slice %arg2[%run_scoped3A_50, %mul3A_49] : memref<25x32768xi32, #tpu.memory_space<hbm>> -> memref<1x1024xi32, #tpu.memory_space<hbm>>
      %dma_start3A_276 = tpu.memref_squeeze %dma_start3A_275 : memref<1x1024xi32, #tpu.memory_space<hbm>> -> memref<1024xi32, #tpu.memory_space<hbm>>
      tpu.enqueue_dma source(%dma_start3A_276 : memref<1024xi32, #tpu.memory_space<hbm>>) target(%dma_start3A_274 : memref<1024xi32, #tpu.memory_space<vmem>>) target_semaphore(%run_scoped3A_268 : memref<!tpu.dma_semaphore, #tpu.memory_space<semaphore_mem>>)
      %dma_wait3A_277 = arith.constant 16384 : i32
      %dma_wait3A_278 = tpu.memref_slice %arg5[%dma_wait3A_277] : memref<25600xi32, #tpu.memory_space<vmem>> -> memref<1024xi32, #tpu.memory_space<vmem>>
      %dma_wait3A_279 = tpu.memref_slice %arg2[%run_scoped3A_50, %mul3A_49] : memref<25x32768xi32, #tpu.memory_space<hbm>> -> memref<1x1024xi32, #tpu.memory_space<hbm>>
      %dma_wait3A_280 = tpu.memref_squeeze %dma_wait3A_279 : memref<1x1024xi32, #tpu.memory_space<hbm>> -> memref<1024xi32, #tpu.memory_space<hbm>>
      %dma_wait3A_281 = arith.constant 16384 : i32
      %dma_wait3A_282 = tpu.memref_slice %arg5[%dma_wait3A_281] : memref<25600xi32, #tpu.memory_space<vmem>> -> memref<1024xi32, #tpu.memory_space<vmem>>
      %dma_wait3A_283 = tpu.memref_slice %arg2[%run_scoped3A_50, %mul3A_49] : memref<25x32768xi32, #tpu.memory_space<hbm>> -> memref<1x1024xi32, #tpu.memory_space<hbm>>
      %dma_wait3A_284 = tpu.memref_squeeze %dma_wait3A_283 : memref<1x1024xi32, #tpu.memory_space<hbm>> -> memref<1024xi32, #tpu.memory_space<hbm>>
      tpu.wait_dma2 semaphore(%run_scoped3A_268 : memref<!tpu.dma_semaphore, #tpu.memory_space<semaphore_mem>>) src(%dma_wait3A_284 : memref<1024xi32, #tpu.memory_space<hbm>>) dst(%dma_wait3A_282 : memref<1024xi32, #tpu.memory_space<vmem>>)
      tpu.yield
    }) : () -> ()
    %mul3A_51 = arith.constant 1024 : i32
    %mul3A_52 = arith.muli %add3A, %mul3A_51 : i32
    %run_scoped3A_53 = arith.constant 17 : i32
    "tpu.region"() ({
      %run_scoped3A_268 = tpu.sem_alloc : memref<!tpu.dma_semaphore, #tpu.memory_space<semaphore_mem>>
      %dma_start3A_269 = arith.constant 17408 : i32
      %dma_start3A_270 = tpu.memref_slice %arg5[%dma_start3A_269] : memref<25600xi32, #tpu.memory_space<vmem>> -> memref<1024xi32, #tpu.memory_space<vmem>>
      %dma_start3A_271 = tpu.memref_slice %arg2[%run_scoped3A_53, %mul3A_52] : memref<25x32768xi32, #tpu.memory_space<hbm>> -> memref<1x1024xi32, #tpu.memory_space<hbm>>
      %dma_start3A_272 = tpu.memref_squeeze %dma_start3A_271 : memref<1x1024xi32, #tpu.memory_space<hbm>> -> memref<1024xi32, #tpu.memory_space<hbm>>
      %dma_start3A_273 = arith.constant 17408 : i32
      %dma_start3A_274 = tpu.memref_slice %arg5[%dma_start3A_273] : memref<25600xi32, #tpu.memory_space<vmem>> -> memref<1024xi32, #tpu.memory_space<vmem>>
      %dma_start3A_275 = tpu.memref_slice %arg2[%run_scoped3A_53, %mul3A_52] : memref<25x32768xi32, #tpu.memory_space<hbm>> -> memref<1x1024xi32, #tpu.memory_space<hbm>>
      %dma_start3A_276 = tpu.memref_squeeze %dma_start3A_275 : memref<1x1024xi32, #tpu.memory_space<hbm>> -> memref<1024xi32, #tpu.memory_space<hbm>>
      tpu.enqueue_dma source(%dma_start3A_276 : memref<1024xi32, #tpu.memory_space<hbm>>) target(%dma_start3A_274 : memref<1024xi32, #tpu.memory_space<vmem>>) target_semaphore(%run_scoped3A_268 : memref<!tpu.dma_semaphore, #tpu.memory_space<semaphore_mem>>)
      %dma_wait3A_277 = arith.constant 17408 : i32
      %dma_wait3A_278 = tpu.memref_slice %arg5[%dma_wait3A_277] : memref<25600xi32, #tpu.memory_space<vmem>> -> memref<1024xi32, #tpu.memory_space<vmem>>
      %dma_wait3A_279 = tpu.memref_slice %arg2[%run_scoped3A_53, %mul3A_52] : memref<25x32768xi32, #tpu.memory_space<hbm>> -> memref<1x1024xi32, #tpu.memory_space<hbm>>
      %dma_wait3A_280 = tpu.memref_squeeze %dma_wait3A_279 : memref<1x1024xi32, #tpu.memory_space<hbm>> -> memref<1024xi32, #tpu.memory_space<hbm>>
      %dma_wait3A_281 = arith.constant 17408 : i32
      %dma_wait3A_282 = tpu.memref_slice %arg5[%dma_wait3A_281] : memref<25600xi32, #tpu.memory_space<vmem>> -> memref<1024xi32, #tpu.memory_space<vmem>>
      %dma_wait3A_283 = tpu.memref_slice %arg2[%run_scoped3A_53, %mul3A_52] : memref<25x32768xi32, #tpu.memory_space<hbm>> -> memref<1x1024xi32, #tpu.memory_space<hbm>>
      %dma_wait3A_284 = tpu.memref_squeeze %dma_wait3A_283 : memref<1x1024xi32, #tpu.memory_space<hbm>> -> memref<1024xi32, #tpu.memory_space<hbm>>
      tpu.wait_dma2 semaphore(%run_scoped3A_268 : memref<!tpu.dma_semaphore, #tpu.memory_space<semaphore_mem>>) src(%dma_wait3A_284 : memref<1024xi32, #tpu.memory_space<hbm>>) dst(%dma_wait3A_282 : memref<1024xi32, #tpu.memory_space<vmem>>)
      tpu.yield
    }) : () -> ()
    %mul3A_54 = arith.constant 1024 : i32
    %mul3A_55 = arith.muli %add3A, %mul3A_54 : i32
    %run_scoped3A_56 = arith.constant 18 : i32
    "tpu.region"() ({
      %run_scoped3A_268 = tpu.sem_alloc : memref<!tpu.dma_semaphore, #tpu.memory_space<semaphore_mem>>
      %dma_start3A_269 = arith.constant 18432 : i32
      %dma_start3A_270 = tpu.memref_slice %arg5[%dma_start3A_269] : memref<25600xi32, #tpu.memory_space<vmem>> -> memref<1024xi32, #tpu.memory_space<vmem>>
      %dma_start3A_271 = tpu.memref_slice %arg2[%run_scoped3A_56, %mul3A_55] : memref<25x32768xi32, #tpu.memory_space<hbm>> -> memref<1x1024xi32, #tpu.memory_space<hbm>>
      %dma_start3A_272 = tpu.memref_squeeze %dma_start3A_271 : memref<1x1024xi32, #tpu.memory_space<hbm>> -> memref<1024xi32, #tpu.memory_space<hbm>>
      %dma_start3A_273 = arith.constant 18432 : i32
      %dma_start3A_274 = tpu.memref_slice %arg5[%dma_start3A_273] : memref<25600xi32, #tpu.memory_space<vmem>> -> memref<1024xi32, #tpu.memory_space<vmem>>
      %dma_start3A_275 = tpu.memref_slice %arg2[%run_scoped3A_56, %mul3A_55] : memref<25x32768xi32, #tpu.memory_space<hbm>> -> memref<1x1024xi32, #tpu.memory_space<hbm>>
      %dma_start3A_276 = tpu.memref_squeeze %dma_start3A_275 : memref<1x1024xi32, #tpu.memory_space<hbm>> -> memref<1024xi32, #tpu.memory_space<hbm>>
      tpu.enqueue_dma source(%dma_start3A_276 : memref<1024xi32, #tpu.memory_space<hbm>>) target(%dma_start3A_274 : memref<1024xi32, #tpu.memory_space<vmem>>) target_semaphore(%run_scoped3A_268 : memref<!tpu.dma_semaphore, #tpu.memory_space<semaphore_mem>>)
      %dma_wait3A_277 = arith.constant 18432 : i32
      %dma_wait3A_278 = tpu.memref_slice %arg5[%dma_wait3A_277] : memref<25600xi32, #tpu.memory_space<vmem>> -> memref<1024xi32, #tpu.memory_space<vmem>>
      %dma_wait3A_279 = tpu.memref_slice %arg2[%run_scoped3A_56, %mul3A_55] : memref<25x32768xi32, #tpu.memory_space<hbm>> -> memref<1x1024xi32, #tpu.memory_space<hbm>>
      %dma_wait3A_280 = tpu.memref_squeeze %dma_wait3A_279 : memref<1x1024xi32, #tpu.memory_space<hbm>> -> memref<1024xi32, #tpu.memory_space<hbm>>
      %dma_wait3A_281 = arith.constant 18432 : i32
      %dma_wait3A_282 = tpu.memref_slice %arg5[%dma_wait3A_281] : memref<25600xi32, #tpu.memory_space<vmem>> -> memref<1024xi32, #tpu.memory_space<vmem>>
      %dma_wait3A_283 = tpu.memref_slice %arg2[%run_scoped3A_56, %mul3A_55] : memref<25x32768xi32, #tpu.memory_space<hbm>> -> memref<1x1024xi32, #tpu.memory_space<hbm>>
      %dma_wait3A_284 = tpu.memref_squeeze %dma_wait3A_283 : memref<1x1024xi32, #tpu.memory_space<hbm>> -> memref<1024xi32, #tpu.memory_space<hbm>>
      tpu.wait_dma2 semaphore(%run_scoped3A_268 : memref<!tpu.dma_semaphore, #tpu.memory_space<semaphore_mem>>) src(%dma_wait3A_284 : memref<1024xi32, #tpu.memory_space<hbm>>) dst(%dma_wait3A_282 : memref<1024xi32, #tpu.memory_space<vmem>>)
      tpu.yield
    }) : () -> ()
    %mul3A_57 = arith.constant 1024 : i32
    %mul3A_58 = arith.muli %add3A, %mul3A_57 : i32
    %run_scoped3A_59 = arith.constant 19 : i32
    "tpu.region"() ({
      %run_scoped3A_268 = tpu.sem_alloc : memref<!tpu.dma_semaphore, #tpu.memory_space<semaphore_mem>>
      %dma_start3A_269 = arith.constant 19456 : i32
      %dma_start3A_270 = tpu.memref_slice %arg5[%dma_start3A_269] : memref<25600xi32, #tpu.memory_space<vmem>> -> memref<1024xi32, #tpu.memory_space<vmem>>
      %dma_start3A_271 = tpu.memref_slice %arg2[%run_scoped3A_59, %mul3A_58] : memref<25x32768xi32, #tpu.memory_space<hbm>> -> memref<1x1024xi32, #tpu.memory_space<hbm>>
      %dma_start3A_272 = tpu.memref_squeeze %dma_start3A_271 : memref<1x1024xi32, #tpu.memory_space<hbm>> -> memref<1024xi32, #tpu.memory_space<hbm>>
      %dma_start3A_273 = arith.constant 19456 : i32
      %dma_start3A_274 = tpu.memref_slice %arg5[%dma_start3A_273] : memref<25600xi32, #tpu.memory_space<vmem>> -> memref<1024xi32, #tpu.memory_space<vmem>>
      %dma_start3A_275 = tpu.memref_slice %arg2[%run_scoped3A_59, %mul3A_58] : memref<25x32768xi32, #tpu.memory_space<hbm>> -> memref<1x1024xi32, #tpu.memory_space<hbm>>
      %dma_start3A_276 = tpu.memref_squeeze %dma_start3A_275 : memref<1x1024xi32, #tpu.memory_space<hbm>> -> memref<1024xi32, #tpu.memory_space<hbm>>
      tpu.enqueue_dma source(%dma_start3A_276 : memref<1024xi32, #tpu.memory_space<hbm>>) target(%dma_start3A_274 : memref<1024xi32, #tpu.memory_space<vmem>>) target_semaphore(%run_scoped3A_268 : memref<!tpu.dma_semaphore, #tpu.memory_space<semaphore_mem>>)
      %dma_wait3A_277 = arith.constant 19456 : i32
      %dma_wait3A_278 = tpu.memref_slice %arg5[%dma_wait3A_277] : memref<25600xi32, #tpu.memory_space<vmem>> -> memref<1024xi32, #tpu.memory_space<vmem>>
      %dma_wait3A_279 = tpu.memref_slice %arg2[%run_scoped3A_59, %mul3A_58] : memref<25x32768xi32, #tpu.memory_space<hbm>> -> memref<1x1024xi32, #tpu.memory_space<hbm>>
      %dma_wait3A_280 = tpu.memref_squeeze %dma_wait3A_279 : memref<1x1024xi32, #tpu.memory_space<hbm>> -> memref<1024xi32, #tpu.memory_space<hbm>>
      %dma_wait3A_281 = arith.constant 19456 : i32
      %dma_wait3A_282 = tpu.memref_slice %arg5[%dma_wait3A_281] : memref<25600xi32, #tpu.memory_space<vmem>> -> memref<1024xi32, #tpu.memory_space<vmem>>
      %dma_wait3A_283 = tpu.memref_slice %arg2[%run_scoped3A_59, %mul3A_58] : memref<25x32768xi32, #tpu.memory_space<hbm>> -> memref<1x1024xi32, #tpu.memory_space<hbm>>
      %dma_wait3A_284 = tpu.memref_squeeze %dma_wait3A_283 : memref<1x1024xi32, #tpu.memory_space<hbm>> -> memref<1024xi32, #tpu.memory_space<hbm>>
      tpu.wait_dma2 semaphore(%run_scoped3A_268 : memref<!tpu.dma_semaphore, #tpu.memory_space<semaphore_mem>>) src(%dma_wait3A_284 : memref<1024xi32, #tpu.memory_space<hbm>>) dst(%dma_wait3A_282 : memref<1024xi32, #tpu.memory_space<vmem>>)
      tpu.yield
    }) : () -> ()
    %mul3A_60 = arith.constant 1024 : i32
    %mul3A_61 = arith.muli %add3A, %mul3A_60 : i32
    %run_scoped3A_62 = arith.constant 20 : i32
    "tpu.region"() ({
      %run_scoped3A_268 = tpu.sem_alloc : memref<!tpu.dma_semaphore, #tpu.memory_space<semaphore_mem>>
      %dma_start3A_269 = arith.constant 20480 : i32
      %dma_start3A_270 = tpu.memref_slice %arg5[%dma_start3A_269] : memref<25600xi32, #tpu.memory_space<vmem>> -> memref<1024xi32, #tpu.memory_space<vmem>>
      %dma_start3A_271 = tpu.memref_slice %arg2[%run_scoped3A_62, %mul3A_61] : memref<25x32768xi32, #tpu.memory_space<hbm>> -> memref<1x1024xi32, #tpu.memory_space<hbm>>
      %dma_start3A_272 = tpu.memref_squeeze %dma_start3A_271 : memref<1x1024xi32, #tpu.memory_space<hbm>> -> memref<1024xi32, #tpu.memory_space<hbm>>
      %dma_start3A_273 = arith.constant 20480 : i32
      %dma_start3A_274 = tpu.memref_slice %arg5[%dma_start3A_273] : memref<25600xi32, #tpu.memory_space<vmem>> -> memref<1024xi32, #tpu.memory_space<vmem>>
      %dma_start3A_275 = tpu.memref_slice %arg2[%run_scoped3A_62, %mul3A_61] : memref<25x32768xi32, #tpu.memory_space<hbm>> -> memref<1x1024xi32, #tpu.memory_space<hbm>>
      %dma_start3A_276 = tpu.memref_squeeze %dma_start3A_275 : memref<1x1024xi32, #tpu.memory_space<hbm>> -> memref<1024xi32, #tpu.memory_space<hbm>>
      tpu.enqueue_dma source(%dma_start3A_276 : memref<1024xi32, #tpu.memory_space<hbm>>) target(%dma_start3A_274 : memref<1024xi32, #tpu.memory_space<vmem>>) target_semaphore(%run_scoped3A_268 : memref<!tpu.dma_semaphore, #tpu.memory_space<semaphore_mem>>)
      %dma_wait3A_277 = arith.constant 20480 : i32
      %dma_wait3A_278 = tpu.memref_slice %arg5[%dma_wait3A_277] : memref<25600xi32, #tpu.memory_space<vmem>> -> memref<1024xi32, #tpu.memory_space<vmem>>
      %dma_wait3A_279 = tpu.memref_slice %arg2[%run_scoped3A_62, %mul3A_61] : memref<25x32768xi32, #tpu.memory_space<hbm>> -> memref<1x1024xi32, #tpu.memory_space<hbm>>
      %dma_wait3A_280 = tpu.memref_squeeze %dma_wait3A_279 : memref<1x1024xi32, #tpu.memory_space<hbm>> -> memref<1024xi32, #tpu.memory_space<hbm>>
      %dma_wait3A_281 = arith.constant 20480 : i32
      %dma_wait3A_282 = tpu.memref_slice %arg5[%dma_wait3A_281] : memref<25600xi32, #tpu.memory_space<vmem>> -> memref<1024xi32, #tpu.memory_space<vmem>>
      %dma_wait3A_283 = tpu.memref_slice %arg2[%run_scoped3A_62, %mul3A_61] : memref<25x32768xi32, #tpu.memory_space<hbm>> -> memref<1x1024xi32, #tpu.memory_space<hbm>>
      %dma_wait3A_284 = tpu.memref_squeeze %dma_wait3A_283 : memref<1x1024xi32, #tpu.memory_space<hbm>> -> memref<1024xi32, #tpu.memory_space<hbm>>
      tpu.wait_dma2 semaphore(%run_scoped3A_268 : memref<!tpu.dma_semaphore, #tpu.memory_space<semaphore_mem>>) src(%dma_wait3A_284 : memref<1024xi32, #tpu.memory_space<hbm>>) dst(%dma_wait3A_282 : memref<1024xi32, #tpu.memory_space<vmem>>)
      tpu.yield
    }) : () -> ()
    %mul3A_63 = arith.constant 1024 : i32
    %mul3A_64 = arith.muli %add3A, %mul3A_63 : i32
    %run_scoped3A_65 = arith.constant 21 : i32
    "tpu.region"() ({
      %run_scoped3A_268 = tpu.sem_alloc : memref<!tpu.dma_semaphore, #tpu.memory_space<semaphore_mem>>
      %dma_start3A_269 = arith.constant 21504 : i32
      %dma_start3A_270 = tpu.memref_slice %arg5[%dma_start3A_269] : memref<25600xi32, #tpu.memory_space<vmem>> -> memref<1024xi32, #tpu.memory_space<vmem>>
      %dma_start3A_271 = tpu.memref_slice %arg2[%run_scoped3A_65, %mul3A_64] : memref<25x32768xi32, #tpu.memory_space<hbm>> -> memref<1x1024xi32, #tpu.memory_space<hbm>>
      %dma_start3A_272 = tpu.memref_squeeze %dma_start3A_271 : memref<1x1024xi32, #tpu.memory_space<hbm>> -> memref<1024xi32, #tpu.memory_space<hbm>>
      %dma_start3A_273 = arith.constant 21504 : i32
      %dma_start3A_274 = tpu.memref_slice %arg5[%dma_start3A_273] : memref<25600xi32, #tpu.memory_space<vmem>> -> memref<1024xi32, #tpu.memory_space<vmem>>
      %dma_start3A_275 = tpu.memref_slice %arg2[%run_scoped3A_65, %mul3A_64] : memref<25x32768xi32, #tpu.memory_space<hbm>> -> memref<1x1024xi32, #tpu.memory_space<hbm>>
      %dma_start3A_276 = tpu.memref_squeeze %dma_start3A_275 : memref<1x1024xi32, #tpu.memory_space<hbm>> -> memref<1024xi32, #tpu.memory_space<hbm>>
      tpu.enqueue_dma source(%dma_start3A_276 : memref<1024xi32, #tpu.memory_space<hbm>>) target(%dma_start3A_274 : memref<1024xi32, #tpu.memory_space<vmem>>) target_semaphore(%run_scoped3A_268 : memref<!tpu.dma_semaphore, #tpu.memory_space<semaphore_mem>>)
      %dma_wait3A_277 = arith.constant 21504 : i32
      %dma_wait3A_278 = tpu.memref_slice %arg5[%dma_wait3A_277] : memref<25600xi32, #tpu.memory_space<vmem>> -> memref<1024xi32, #tpu.memory_space<vmem>>
      %dma_wait3A_279 = tpu.memref_slice %arg2[%run_scoped3A_65, %mul3A_64] : memref<25x32768xi32, #tpu.memory_space<hbm>> -> memref<1x1024xi32, #tpu.memory_space<hbm>>
      %dma_wait3A_280 = tpu.memref_squeeze %dma_wait3A_279 : memref<1x1024xi32, #tpu.memory_space<hbm>> -> memref<1024xi32, #tpu.memory_space<hbm>>
      %dma_wait3A_281 = arith.constant 21504 : i32
      %dma_wait3A_282 = tpu.memref_slice %arg5[%dma_wait3A_281] : memref<25600xi32, #tpu.memory_space<vmem>> -> memref<1024xi32, #tpu.memory_space<vmem>>
      %dma_wait3A_283 = tpu.memref_slice %arg2[%run_scoped3A_65, %mul3A_64] : memref<25x32768xi32, #tpu.memory_space<hbm>> -> memref<1x1024xi32, #tpu.memory_space<hbm>>
      %dma_wait3A_284 = tpu.memref_squeeze %dma_wait3A_283 : memref<1x1024xi32, #tpu.memory_space<hbm>> -> memref<1024xi32, #tpu.memory_space<hbm>>
      tpu.wait_dma2 semaphore(%run_scoped3A_268 : memref<!tpu.dma_semaphore, #tpu.memory_space<semaphore_mem>>) src(%dma_wait3A_284 : memref<1024xi32, #tpu.memory_space<hbm>>) dst(%dma_wait3A_282 : memref<1024xi32, #tpu.memory_space<vmem>>)
      tpu.yield
    }) : () -> ()
    %mul3A_66 = arith.constant 1024 : i32
    %mul3A_67 = arith.muli %add3A, %mul3A_66 : i32
    %run_scoped3A_68 = arith.constant 22 : i32
    "tpu.region"() ({
      %run_scoped3A_268 = tpu.sem_alloc : memref<!tpu.dma_semaphore, #tpu.memory_space<semaphore_mem>>
      %dma_start3A_269 = arith.constant 22528 : i32
      %dma_start3A_270 = tpu.memref_slice %arg5[%dma_start3A_269] : memref<25600xi32, #tpu.memory_space<vmem>> -> memref<1024xi32, #tpu.memory_space<vmem>>
      %dma_start3A_271 = tpu.memref_slice %arg2[%run_scoped3A_68, %mul3A_67] : memref<25x32768xi32, #tpu.memory_space<hbm>> -> memref<1x1024xi32, #tpu.memory_space<hbm>>
      %dma_start3A_272 = tpu.memref_squeeze %dma_start3A_271 : memref<1x1024xi32, #tpu.memory_space<hbm>> -> memref<1024xi32, #tpu.memory_space<hbm>>
      %dma_start3A_273 = arith.constant 22528 : i32
      %dma_start3A_274 = tpu.memref_slice %arg5[%dma_start3A_273] : memref<25600xi32, #tpu.memory_space<vmem>> -> memref<1024xi32, #tpu.memory_space<vmem>>
      %dma_start3A_275 = tpu.memref_slice %arg2[%run_scoped3A_68, %mul3A_67] : memref<25x32768xi32, #tpu.memory_space<hbm>> -> memref<1x1024xi32, #tpu.memory_space<hbm>>
      %dma_start3A_276 = tpu.memref_squeeze %dma_start3A_275 : memref<1x1024xi32, #tpu.memory_space<hbm>> -> memref<1024xi32, #tpu.memory_space<hbm>>
      tpu.enqueue_dma source(%dma_start3A_276 : memref<1024xi32, #tpu.memory_space<hbm>>) target(%dma_start3A_274 : memref<1024xi32, #tpu.memory_space<vmem>>) target_semaphore(%run_scoped3A_268 : memref<!tpu.dma_semaphore, #tpu.memory_space<semaphore_mem>>)
      %dma_wait3A_277 = arith.constant 22528 : i32
      %dma_wait3A_278 = tpu.memref_slice %arg5[%dma_wait3A_277] : memref<25600xi32, #tpu.memory_space<vmem>> -> memref<1024xi32, #tpu.memory_space<vmem>>
      %dma_wait3A_279 = tpu.memref_slice %arg2[%run_scoped3A_68, %mul3A_67] : memref<25x32768xi32, #tpu.memory_space<hbm>> -> memref<1x1024xi32, #tpu.memory_space<hbm>>
      %dma_wait3A_280 = tpu.memref_squeeze %dma_wait3A_279 : memref<1x1024xi32, #tpu.memory_space<hbm>> -> memref<1024xi32, #tpu.memory_space<hbm>>
      %dma_wait3A_281 = arith.constant 22528 : i32
      %dma_wait3A_282 = tpu.memref_slice %arg5[%dma_wait3A_281] : memref<25600xi32, #tpu.memory_space<vmem>> -> memref<1024xi32, #tpu.memory_space<vmem>>
      %dma_wait3A_283 = tpu.memref_slice %arg2[%run_scoped3A_68, %mul3A_67] : memref<25x32768xi32, #tpu.memory_space<hbm>> -> memref<1x1024xi32, #tpu.memory_space<hbm>>
      %dma_wait3A_284 = tpu.memref_squeeze %dma_wait3A_283 : memref<1x1024xi32, #tpu.memory_space<hbm>> -> memref<1024xi32, #tpu.memory_space<hbm>>
      tpu.wait_dma2 semaphore(%run_scoped3A_268 : memref<!tpu.dma_semaphore, #tpu.memory_space<semaphore_mem>>) src(%dma_wait3A_284 : memref<1024xi32, #tpu.memory_space<hbm>>) dst(%dma_wait3A_282 : memref<1024xi32, #tpu.memory_space<vmem>>)
      tpu.yield
    }) : () -> ()
    %mul3A_69 = arith.constant 1024 : i32
    %mul3A_70 = arith.muli %add3A, %mul3A_69 : i32
    %run_scoped3A_71 = arith.constant 23 : i32
    "tpu.region"() ({
      %run_scoped3A_268 = tpu.sem_alloc : memref<!tpu.dma_semaphore, #tpu.memory_space<semaphore_mem>>
      %dma_start3A_269 = arith.constant 23552 : i32
      %dma_start3A_270 = tpu.memref_slice %arg5[%dma_start3A_269] : memref<25600xi32, #tpu.memory_space<vmem>> -> memref<1024xi32, #tpu.memory_space<vmem>>
      %dma_start3A_271 = tpu.memref_slice %arg2[%run_scoped3A_71, %mul3A_70] : memref<25x32768xi32, #tpu.memory_space<hbm>> -> memref<1x1024xi32, #tpu.memory_space<hbm>>
      %dma_start3A_272 = tpu.memref_squeeze %dma_start3A_271 : memref<1x1024xi32, #tpu.memory_space<hbm>> -> memref<1024xi32, #tpu.memory_space<hbm>>
      %dma_start3A_273 = arith.constant 23552 : i32
      %dma_start3A_274 = tpu.memref_slice %arg5[%dma_start3A_273] : memref<25600xi32, #tpu.memory_space<vmem>> -> memref<1024xi32, #tpu.memory_space<vmem>>
      %dma_start3A_275 = tpu.memref_slice %arg2[%run_scoped3A_71, %mul3A_70] : memref<25x32768xi32, #tpu.memory_space<hbm>> -> memref<1x1024xi32, #tpu.memory_space<hbm>>
      %dma_start3A_276 = tpu.memref_squeeze %dma_start3A_275 : memref<1x1024xi32, #tpu.memory_space<hbm>> -> memref<1024xi32, #tpu.memory_space<hbm>>
      tpu.enqueue_dma source(%dma_start3A_276 : memref<1024xi32, #tpu.memory_space<hbm>>) target(%dma_start3A_274 : memref<1024xi32, #tpu.memory_space<vmem>>) target_semaphore(%run_scoped3A_268 : memref<!tpu.dma_semaphore, #tpu.memory_space<semaphore_mem>>)
      %dma_wait3A_277 = arith.constant 23552 : i32
      %dma_wait3A_278 = tpu.memref_slice %arg5[%dma_wait3A_277] : memref<25600xi32, #tpu.memory_space<vmem>> -> memref<1024xi32, #tpu.memory_space<vmem>>
      %dma_wait3A_279 = tpu.memref_slice %arg2[%run_scoped3A_71, %mul3A_70] : memref<25x32768xi32, #tpu.memory_space<hbm>> -> memref<1x1024xi32, #tpu.memory_space<hbm>>
      %dma_wait3A_280 = tpu.memref_squeeze %dma_wait3A_279 : memref<1x1024xi32, #tpu.memory_space<hbm>> -> memref<1024xi32, #tpu.memory_space<hbm>>
      %dma_wait3A_281 = arith.constant 23552 : i32
      %dma_wait3A_282 = tpu.memref_slice %arg5[%dma_wait3A_281] : memref<25600xi32, #tpu.memory_space<vmem>> -> memref<1024xi32, #tpu.memory_space<vmem>>
      %dma_wait3A_283 = tpu.memref_slice %arg2[%run_scoped3A_71, %mul3A_70] : memref<25x32768xi32, #tpu.memory_space<hbm>> -> memref<1x1024xi32, #tpu.memory_space<hbm>>
      %dma_wait3A_284 = tpu.memref_squeeze %dma_wait3A_283 : memref<1x1024xi32, #tpu.memory_space<hbm>> -> memref<1024xi32, #tpu.memory_space<hbm>>
      tpu.wait_dma2 semaphore(%run_scoped3A_268 : memref<!tpu.dma_semaphore, #tpu.memory_space<semaphore_mem>>) src(%dma_wait3A_284 : memref<1024xi32, #tpu.memory_space<hbm>>) dst(%dma_wait3A_282 : memref<1024xi32, #tpu.memory_space<vmem>>)
      tpu.yield
    }) : () -> ()
    %mul3A_72 = arith.constant 1024 : i32
    %mul3A_73 = arith.muli %add3A, %mul3A_72 : i32
    %run_scoped3A_74 = arith.constant 24 : i32
    "tpu.region"() ({
      %run_scoped3A_268 = tpu.sem_alloc : memref<!tpu.dma_semaphore, #tpu.memory_space<semaphore_mem>>
      %dma_start3A_269 = arith.constant 24576 : i32
      %dma_start3A_270 = tpu.memref_slice %arg5[%dma_start3A_269] : memref<25600xi32, #tpu.memory_space<vmem>> -> memref<1024xi32, #tpu.memory_space<vmem>>
      %dma_start3A_271 = tpu.memref_slice %arg2[%run_scoped3A_74, %mul3A_73] : memref<25x32768xi32, #tpu.memory_space<hbm>> -> memref<1x1024xi32, #tpu.memory_space<hbm>>
      %dma_start3A_272 = tpu.memref_squeeze %dma_start3A_271 : memref<1x1024xi32, #tpu.memory_space<hbm>> -> memref<1024xi32, #tpu.memory_space<hbm>>
      %dma_start3A_273 = arith.constant 24576 : i32
      %dma_start3A_274 = tpu.memref_slice %arg5[%dma_start3A_273] : memref<25600xi32, #tpu.memory_space<vmem>> -> memref<1024xi32, #tpu.memory_space<vmem>>
      %dma_start3A_275 = tpu.memref_slice %arg2[%run_scoped3A_74, %mul3A_73] : memref<25x32768xi32, #tpu.memory_space<hbm>> -> memref<1x1024xi32, #tpu.memory_space<hbm>>
      %dma_start3A_276 = tpu.memref_squeeze %dma_start3A_275 : memref<1x1024xi32, #tpu.memory_space<hbm>> -> memref<1024xi32, #tpu.memory_space<hbm>>
      tpu.enqueue_dma source(%dma_start3A_276 : memref<1024xi32, #tpu.memory_space<hbm>>) target(%dma_start3A_274 : memref<1024xi32, #tpu.memory_space<vmem>>) target_semaphore(%run_scoped3A_268 : memref<!tpu.dma_semaphore, #tpu.memory_space<semaphore_mem>>)
      %dma_wait3A_277 = arith.constant 24576 : i32
      %dma_wait3A_278 = tpu.memref_slice %arg5[%dma_wait3A_277] : memref<25600xi32, #tpu.memory_space<vmem>> -> memref<1024xi32, #tpu.memory_space<vmem>>
      %dma_wait3A_279 = tpu.memref_slice %arg2[%run_scoped3A_74, %mul3A_73] : memref<25x32768xi32, #tpu.memory_space<hbm>> -> memref<1x1024xi32, #tpu.memory_space<hbm>>
      %dma_wait3A_280 = tpu.memref_squeeze %dma_wait3A_279 : memref<1x1024xi32, #tpu.memory_space<hbm>> -> memref<1024xi32, #tpu.memory_space<hbm>>
      %dma_wait3A_281 = arith.constant 24576 : i32
      %dma_wait3A_282 = tpu.memref_slice %arg5[%dma_wait3A_281] : memref<25600xi32, #tpu.memory_space<vmem>> -> memref<1024xi32, #tpu.memory_space<vmem>>
      %dma_wait3A_283 = tpu.memref_slice %arg2[%run_scoped3A_74, %mul3A_73] : memref<25x32768xi32, #tpu.memory_space<hbm>> -> memref<1x1024xi32, #tpu.memory_space<hbm>>
      %dma_wait3A_284 = tpu.memref_squeeze %dma_wait3A_283 : memref<1x1024xi32, #tpu.memory_space<hbm>> -> memref<1024xi32, #tpu.memory_space<hbm>>
      tpu.wait_dma2 semaphore(%run_scoped3A_268 : memref<!tpu.dma_semaphore, #tpu.memory_space<semaphore_mem>>) src(%dma_wait3A_284 : memref<1024xi32, #tpu.memory_space<hbm>>) dst(%dma_wait3A_282 : memref<1024xi32, #tpu.memory_space<vmem>>)
      tpu.yield
    }) : () -> ()
    %scan3A = arith.constant 0 : i32
    %scan3A_75 = arith.constant 0 : i32
    %scan3A_76 = arith.constant 25 : i32
    %scan3A_77 = arith.addi %scan3A_75, %scan3A_76 : i32
    %scan3A_78 = arith.constant 1 : i32
    scf.for %scan3A_268 = %scan3A_75 to %scan3A_77 step %scan3A_78  : i32 {
      %mul3A_269 = arith.constant 2 : i32
      %mul3A_270 = arith.muli %scan3A_268, %mul3A_269 : i32
      %add3A_271 = arith.constant 0 : i32
      %add3A_272 = arith.addi %mul3A_270, %add3A_271 : i32
      %ge3A = arith.constant 1 : i32
      %ge3A_273 = arith.cmpi sge, %scan3A_268, %ge3A : i32
      %convert_element_type3A = arith.extui %ge3A_273 : i1 to i32
      %cond3A = arith.constant 0 : i32
      %cond3A_274 = arith.cmpi ne, %convert_element_type3A, %cond3A : i32
      scf.if %cond3A_274 {
        %mul3A_407 = arith.constant 4 : i32
        %mul3A_408 = arith.muli %add3A_272, %mul3A_407 : i32
        %add3A_409 = arith.constant 0 : i32
        %add3A_410 = arith.addi %mul3A_408, %add3A_409 : i32
        %mul3A_411 = arith.constant 128 : i32
        %mul3A_412 = arith.muli %add3A, %mul3A_411 : i32
        %mul3A_413 = arith.constant 64 : i32
        %mul3A_414 = arith.muli %add3A_410, %mul3A_413 : i32
        %dma_wait3A_415 = arith.constant 0 : i32
        %dma_wait3A_416 = arith.constant 0 : i32
        %dma_wait3A_417 = arith.constant 0 : i32
        %dma_wait3A_418 = tpu.memref_slice %arg6[%dma_wait3A_415, %dma_wait3A_416, %dma_wait3A_417] : memref<2x512x64xf32, #tpu.memory_space<vmem>> -> memref<1x128x64xf32, #tpu.memory_space<vmem>>
        %dma_wait3A_419 = tpu.memref_squeeze %dma_wait3A_418 : memref<1x128x64xf32, #tpu.memory_space<vmem>> -> memref<128x64xf32, #tpu.memory_space<vmem>>
        %dma_wait3A_420 = tpu.memref_slice %arg4[%mul3A_412, %mul3A_414] : memref<4096x12800xf32, #tpu.memory_space<hbm>> -> memref<128x64xf32, #tpu.memory_space<hbm>>
        %dma_wait3A_421 = tpu.memref_slice %arg4[%mul3A_412, %mul3A_414] : memref<4096x12800xf32, #tpu.memory_space<hbm>> -> memref<128x64xf32, #tpu.memory_space<hbm>>
        %dma_wait3A_422 = arith.constant 0 : i32
        %dma_wait3A_423 = arith.constant 0 : i32
        %dma_wait3A_424 = tpu.memref_slice %arg6[%dma_wait3A_415, %dma_wait3A_422, %dma_wait3A_423] : memref<2x512x64xf32, #tpu.memory_space<vmem>> -> memref<1x128x64xf32, #tpu.memory_space<vmem>>
        %dma_wait3A_425 = tpu.memref_squeeze %dma_wait3A_424 : memref<1x128x64xf32, #tpu.memory_space<vmem>> -> memref<128x64xf32, #tpu.memory_space<vmem>>
        tpu.wait_dma2 semaphore(%arg9 : memref<!tpu.dma_semaphore, #tpu.memory_space<semaphore_mem>>) src(%dma_wait3A_425 : memref<128x64xf32, #tpu.memory_space<vmem>>) dst(%dma_wait3A_421 : memref<128x64xf32, #tpu.memory_space<hbm>>)
        %mul3A_426 = arith.constant 4 : i32
        %mul3A_427 = arith.muli %add3A_272, %mul3A_426 : i32
        %add3A_428 = arith.constant 1 : i32
        %add3A_429 = arith.addi %mul3A_427, %add3A_428 : i32
        %mul3A_430 = arith.constant 128 : i32
        %mul3A_431 = arith.muli %add3A, %mul3A_430 : i32
        %mul3A_432 = arith.constant 64 : i32
        %mul3A_433 = arith.muli %add3A_429, %mul3A_432 : i32
        %dma_wait3A_434 = arith.constant 0 : i32
        %dma_wait3A_435 = arith.constant 128 : i32
        %dma_wait3A_436 = arith.constant 0 : i32
        %dma_wait3A_437 = tpu.memref_slice %arg6[%dma_wait3A_434, %dma_wait3A_435, %dma_wait3A_436] : memref<2x512x64xf32, #tpu.memory_space<vmem>> -> memref<1x128x64xf32, #tpu.memory_space<vmem>>
        %dma_wait3A_438 = tpu.memref_squeeze %dma_wait3A_437 : memref<1x128x64xf32, #tpu.memory_space<vmem>> -> memref<128x64xf32, #tpu.memory_space<vmem>>
        %dma_wait3A_439 = tpu.memref_slice %arg4[%mul3A_431, %mul3A_433] : memref<4096x12800xf32, #tpu.memory_space<hbm>> -> memref<128x64xf32, #tpu.memory_space<hbm>>
        %dma_wait3A_440 = tpu.memref_slice %arg4[%mul3A_431, %mul3A_433] : memref<4096x12800xf32, #tpu.memory_space<hbm>> -> memref<128x64xf32, #tpu.memory_space<hbm>>
        %dma_wait3A_441 = arith.constant 128 : i32
        %dma_wait3A_442 = arith.constant 0 : i32
        %dma_wait3A_443 = tpu.memref_slice %arg6[%dma_wait3A_434, %dma_wait3A_441, %dma_wait3A_442] : memref<2x512x64xf32, #tpu.memory_space<vmem>> -> memref<1x128x64xf32, #tpu.memory_space<vmem>>
        %dma_wait3A_444 = tpu.memref_squeeze %dma_wait3A_443 : memref<1x128x64xf32, #tpu.memory_space<vmem>> -> memref<128x64xf32, #tpu.memory_space<vmem>>
        tpu.wait_dma2 semaphore(%arg9 : memref<!tpu.dma_semaphore, #tpu.memory_space<semaphore_mem>>) src(%dma_wait3A_444 : memref<128x64xf32, #tpu.memory_space<vmem>>) dst(%dma_wait3A_440 : memref<128x64xf32, #tpu.memory_space<hbm>>)
        %mul3A_445 = arith.constant 4 : i32
        %mul3A_446 = arith.muli %add3A_272, %mul3A_445 : i32
        %add3A_447 = arith.constant 2 : i32
        %add3A_448 = arith.addi %mul3A_446, %add3A_447 : i32
        %mul3A_449 = arith.constant 128 : i32
        %mul3A_450 = arith.muli %add3A, %mul3A_449 : i32
        %mul3A_451 = arith.constant 64 : i32
        %mul3A_452 = arith.muli %add3A_448, %mul3A_451 : i32
        %dma_wait3A_453 = arith.constant 0 : i32
        %dma_wait3A_454 = arith.constant 256 : i32
        %dma_wait3A_455 = arith.constant 0 : i32
        %dma_wait3A_456 = tpu.memref_slice %arg6[%dma_wait3A_453, %dma_wait3A_454, %dma_wait3A_455] : memref<2x512x64xf32, #tpu.memory_space<vmem>> -> memref<1x128x64xf32, #tpu.memory_space<vmem>>
        %dma_wait3A_457 = tpu.memref_squeeze %dma_wait3A_456 : memref<1x128x64xf32, #tpu.memory_space<vmem>> -> memref<128x64xf32, #tpu.memory_space<vmem>>
        %dma_wait3A_458 = tpu.memref_slice %arg4[%mul3A_450, %mul3A_452] : memref<4096x12800xf32, #tpu.memory_space<hbm>> -> memref<128x64xf32, #tpu.memory_space<hbm>>
        %dma_wait3A_459 = tpu.memref_slice %arg4[%mul3A_450, %mul3A_452] : memref<4096x12800xf32, #tpu.memory_space<hbm>> -> memref<128x64xf32, #tpu.memory_space<hbm>>
        %dma_wait3A_460 = arith.constant 256 : i32
        %dma_wait3A_461 = arith.constant 0 : i32
        %dma_wait3A_462 = tpu.memref_slice %arg6[%dma_wait3A_453, %dma_wait3A_460, %dma_wait3A_461] : memref<2x512x64xf32, #tpu.memory_space<vmem>> -> memref<1x128x64xf32, #tpu.memory_space<vmem>>
        %dma_wait3A_463 = tpu.memref_squeeze %dma_wait3A_462 : memref<1x128x64xf32, #tpu.memory_space<vmem>> -> memref<128x64xf32, #tpu.memory_space<vmem>>
        tpu.wait_dma2 semaphore(%arg9 : memref<!tpu.dma_semaphore, #tpu.memory_space<semaphore_mem>>) src(%dma_wait3A_463 : memref<128x64xf32, #tpu.memory_space<vmem>>) dst(%dma_wait3A_459 : memref<128x64xf32, #tpu.memory_space<hbm>>)
        %mul3A_464 = arith.constant 4 : i32
        %mul3A_465 = arith.muli %add3A_272, %mul3A_464 : i32
        %add3A_466 = arith.constant 3 : i32
        %add3A_467 = arith.addi %mul3A_465, %add3A_466 : i32
        %mul3A_468 = arith.constant 128 : i32
        %mul3A_469 = arith.muli %add3A, %mul3A_468 : i32
        %mul3A_470 = arith.constant 64 : i32
        %mul3A_471 = arith.muli %add3A_467, %mul3A_470 : i32
        %dma_wait3A_472 = arith.constant 0 : i32
        %dma_wait3A_473 = arith.constant 384 : i32
        %dma_wait3A_474 = arith.constant 0 : i32
        %dma_wait3A_475 = tpu.memref_slice %arg6[%dma_wait3A_472, %dma_wait3A_473, %dma_wait3A_474] : memref<2x512x64xf32, #tpu.memory_space<vmem>> -> memref<1x128x64xf32, #tpu.memory_space<vmem>>
        %dma_wait3A_476 = tpu.memref_squeeze %dma_wait3A_475 : memref<1x128x64xf32, #tpu.memory_space<vmem>> -> memref<128x64xf32, #tpu.memory_space<vmem>>
        %dma_wait3A_477 = tpu.memref_slice %arg4[%mul3A_469, %mul3A_471] : memref<4096x12800xf32, #tpu.memory_space<hbm>> -> memref<128x64xf32, #tpu.memory_space<hbm>>
        %dma_wait3A_478 = tpu.memref_slice %arg4[%mul3A_469, %mul3A_471] : memref<4096x12800xf32, #tpu.memory_space<hbm>> -> memref<128x64xf32, #tpu.memory_space<hbm>>
        %dma_wait3A_479 = arith.constant 384 : i32
        %dma_wait3A_480 = arith.constant 0 : i32
        %dma_wait3A_481 = tpu.memref_slice %arg6[%dma_wait3A_472, %dma_wait3A_479, %dma_wait3A_480] : memref<2x512x64xf32, #tpu.memory_space<vmem>> -> memref<1x128x64xf32, #tpu.memory_space<vmem>>
        %dma_wait3A_482 = tpu.memref_squeeze %dma_wait3A_481 : memref<1x128x64xf32, #tpu.memory_space<vmem>> -> memref<128x64xf32, #tpu.memory_space<vmem>>
        tpu.wait_dma2 semaphore(%arg9 : memref<!tpu.dma_semaphore, #tpu.memory_space<semaphore_mem>>) src(%dma_wait3A_482 : memref<128x64xf32, #tpu.memory_space<vmem>>) dst(%dma_wait3A_478 : memref<128x64xf32, #tpu.memory_space<hbm>>)
      } else {
      }
      %mul3A_275 = arith.constant 512 : i32
      %mul3A_276 = arith.muli %add3A_272, %mul3A_275 : i32
      %dma_start3A_277 = arith.constant 0 : i32
      %dma_start3A_278 = arith.constant 0 : i32
      %dma_start3A_279 = arith.constant 0 : i32
      %dma_start3A_280 = tpu.memref_slice %arg6[%dma_start3A_277, %dma_start3A_278, %dma_start3A_279] : memref<2x512x64xf32, #tpu.memory_space<vmem>> -> memref<1x512x64xf32, #tpu.memory_space<vmem>>
      %dma_start3A_281 = tpu.memref_squeeze %dma_start3A_280 : memref<1x512x64xf32, #tpu.memory_space<vmem>> -> memref<512x64xf32, #tpu.memory_space<vmem>>
      %dma_start3A_282 = tpu.memref_slice %arg5[%mul3A_276] : memref<25600xi32, #tpu.memory_space<vmem>> -> memref<512xi32, #tpu.memory_space<vmem>>
      %dma_start3A_283 = arith.constant 0 : i32
      %dma_start3A_284 = arith.constant 0 : i32
      %dma_start3A_285 = tpu.memref_slice %arg3[%dma_start3A_283, %dma_start3A_284] : memref<1000000x64xf32, #tpu.memory_space<hbm>> -> memref<1000000x64xf32, #tpu.memory_space<hbm>>
      tpu.enqueue_indirect_dma source(%dma_start3A_285 : memref<1000000x64xf32, #tpu.memory_space<hbm>>) target(%dma_start3A_281 : memref<512x64xf32, #tpu.memory_space<vmem>>) offsets(%dma_start3A_282 : memref<512xi32, #tpu.memory_space<vmem>>) semaphore(%arg7 : memref<!tpu.dma_semaphore, #tpu.memory_space<semaphore_mem>>)
      %ge3A_286 = arith.constant 1 : i32
      %ge3A_287 = arith.cmpi sge, %scan3A_268, %ge3A_286 : i32
      %convert_element_type3A_288 = arith.extui %ge3A_287 : i1 to i32
      %cond3A_289 = arith.constant 0 : i32
      %cond3A_290 = arith.cmpi ne, %convert_element_type3A_288, %cond3A_289 : i32
      scf.if %cond3A_290 {
        %sub3A_407 = arith.constant 1 : i32
        %sub3A_408 = arith.subi %add3A_272, %sub3A_407 : i32
        %mul3A_409 = arith.constant 512 : i32
        %mul3A_410 = arith.muli %sub3A_408, %mul3A_409 : i32
        %dma_wait3A_411 = arith.constant 1 : i32
        %dma_wait3A_412 = arith.constant 0 : i32
        %dma_wait3A_413 = arith.constant 0 : i32
        %dma_wait3A_414 = tpu.memref_slice %arg6[%dma_wait3A_411, %dma_wait3A_412, %dma_wait3A_413] : memref<2x512x64xf32, #tpu.memory_space<vmem>> -> memref<1x512x64xf32, #tpu.memory_space<vmem>>
        %dma_wait3A_415 = tpu.memref_squeeze %dma_wait3A_414 : memref<1x512x64xf32, #tpu.memory_space<vmem>> -> memref<512x64xf32, #tpu.memory_space<vmem>>
        %dma_wait3A_416 = tpu.memref_slice %arg5[%mul3A_410] : memref<25600xi32, #tpu.memory_space<vmem>> -> memref<512xi32, #tpu.memory_space<vmem>>
        %dma_wait3A_417 = arith.constant 0 : i32
        %dma_wait3A_418 = arith.constant 0 : i32
        %dma_wait3A_419 = tpu.memref_slice %arg3[%dma_wait3A_417, %dma_wait3A_418] : memref<1000000x64xf32, #tpu.memory_space<hbm>> -> memref<1000000x64xf32, #tpu.memory_space<hbm>>
        tpu.wait_indirect_dma semaphore(%arg8 : memref<!tpu.dma_semaphore, #tpu.memory_space<semaphore_mem>>) src(%dma_wait3A_419 : memref<1000000x64xf32, #tpu.memory_space<hbm>>) dst(%dma_wait3A_415 : memref<512x64xf32, #tpu.memory_space<vmem>>)
        %sub3A_420 = arith.constant 1 : i32
        %sub3A_421 = arith.subi %add3A_272, %sub3A_420 : i32
        %mul3A_422 = arith.constant 4 : i32
        %mul3A_423 = arith.muli %sub3A_421, %mul3A_422 : i32
        %add3A_424 = arith.constant 0 : i32
        %add3A_425 = arith.addi %mul3A_423, %add3A_424 : i32
        %mul3A_426 = arith.constant 128 : i32
        %mul3A_427 = arith.muli %add3A, %mul3A_426 : i32
        %mul3A_428 = arith.constant 64 : i32
        %mul3A_429 = arith.muli %add3A_425, %mul3A_428 : i32
        %dma_start3A_430 = arith.constant 1 : i32
        %dma_start3A_431 = arith.constant 0 : i32
        %dma_start3A_432 = arith.constant 0 : i32
        %dma_start3A_433 = tpu.memref_slice %arg6[%dma_start3A_430, %dma_start3A_431, %dma_start3A_432] : memref<2x512x64xf32, #tpu.memory_space<vmem>> -> memref<1x128x64xf32, #tpu.memory_space<vmem>>
        %dma_start3A_434 = tpu.memref_squeeze %dma_start3A_433 : memref<1x128x64xf32, #tpu.memory_space<vmem>> -> memref<128x64xf32, #tpu.memory_space<vmem>>
        %dma_start3A_435 = tpu.memref_slice %arg4[%mul3A_427, %mul3A_429] : memref<4096x12800xf32, #tpu.memory_space<hbm>> -> memref<128x64xf32, #tpu.memory_space<hbm>>
        %dma_start3A_436 = tpu.memref_slice %arg4[%mul3A_427, %mul3A_429] : memref<4096x12800xf32, #tpu.memory_space<hbm>> -> memref<128x64xf32, #tpu.memory_space<hbm>>
        %dma_start3A_437 = arith.constant 0 : i32
        %dma_start3A_438 = arith.constant 0 : i32
        %dma_start3A_439 = tpu.memref_slice %arg6[%dma_start3A_430, %dma_start3A_437, %dma_start3A_438] : memref<2x512x64xf32, #tpu.memory_space<vmem>> -> memref<1x128x64xf32, #tpu.memory_space<vmem>>
        %dma_start3A_440 = tpu.memref_squeeze %dma_start3A_439 : memref<1x128x64xf32, #tpu.memory_space<vmem>> -> memref<128x64xf32, #tpu.memory_space<vmem>>
        tpu.enqueue_dma source(%dma_start3A_440 : memref<128x64xf32, #tpu.memory_space<vmem>>) target(%dma_start3A_436 : memref<128x64xf32, #tpu.memory_space<hbm>>) target_semaphore(%arg10 : memref<!tpu.dma_semaphore, #tpu.memory_space<semaphore_mem>>)
        %sub3A_441 = arith.constant 1 : i32
        %sub3A_442 = arith.subi %add3A_272, %sub3A_441 : i32
        %mul3A_443 = arith.constant 4 : i32
        %mul3A_444 = arith.muli %sub3A_442, %mul3A_443 : i32
        %add3A_445 = arith.constant 1 : i32
        %add3A_446 = arith.addi %mul3A_444, %add3A_445 : i32
        %mul3A_447 = arith.constant 128 : i32
        %mul3A_448 = arith.muli %add3A, %mul3A_447 : i32
        %mul3A_449 = arith.constant 64 : i32
        %mul3A_450 = arith.muli %add3A_446, %mul3A_449 : i32
        %dma_start3A_451 = arith.constant 1 : i32
        %dma_start3A_452 = arith.constant 128 : i32
        %dma_start3A_453 = arith.constant 0 : i32
        %dma_start3A_454 = tpu.memref_slice %arg6[%dma_start3A_451, %dma_start3A_452, %dma_start3A_453] : memref<2x512x64xf32, #tpu.memory_space<vmem>> -> memref<1x128x64xf32, #tpu.memory_space<vmem>>
        %dma_start3A_455 = tpu.memref_squeeze %dma_start3A_454 : memref<1x128x64xf32, #tpu.memory_space<vmem>> -> memref<128x64xf32, #tpu.memory_space<vmem>>
        %dma_start3A_456 = tpu.memref_slice %arg4[%mul3A_448, %mul3A_450] : memref<4096x12800xf32, #tpu.memory_space<hbm>> -> memref<128x64xf32, #tpu.memory_space<hbm>>
        %dma_start3A_457 = tpu.memref_slice %arg4[%mul3A_448, %mul3A_450] : memref<4096x12800xf32, #tpu.memory_space<hbm>> -> memref<128x64xf32, #tpu.memory_space<hbm>>
        %dma_start3A_458 = arith.constant 128 : i32
        %dma_start3A_459 = arith.constant 0 : i32
        %dma_start3A_460 = tpu.memref_slice %arg6[%dma_start3A_451, %dma_start3A_458, %dma_start3A_459] : memref<2x512x64xf32, #tpu.memory_space<vmem>> -> memref<1x128x64xf32, #tpu.memory_space<vmem>>
        %dma_start3A_461 = tpu.memref_squeeze %dma_start3A_460 : memref<1x128x64xf32, #tpu.memory_space<vmem>> -> memref<128x64xf32, #tpu.memory_space<vmem>>
        tpu.enqueue_dma source(%dma_start3A_461 : memref<128x64xf32, #tpu.memory_space<vmem>>) target(%dma_start3A_457 : memref<128x64xf32, #tpu.memory_space<hbm>>) target_semaphore(%arg10 : memref<!tpu.dma_semaphore, #tpu.memory_space<semaphore_mem>>)
        %sub3A_462 = arith.constant 1 : i32
        %sub3A_463 = arith.subi %add3A_272, %sub3A_462 : i32
        %mul3A_464 = arith.constant 4 : i32
        %mul3A_465 = arith.muli %sub3A_463, %mul3A_464 : i32
        %add3A_466 = arith.constant 2 : i32
        %add3A_467 = arith.addi %mul3A_465, %add3A_466 : i32
        %mul3A_468 = arith.constant 128 : i32
        %mul3A_469 = arith.muli %add3A, %mul3A_468 : i32
        %mul3A_470 = arith.constant 64 : i32
        %mul3A_471 = arith.muli %add3A_467, %mul3A_470 : i32
        %dma_start3A_472 = arith.constant 1 : i32
        %dma_start3A_473 = arith.constant 256 : i32
        %dma_start3A_474 = arith.constant 0 : i32
        %dma_start3A_475 = tpu.memref_slice %arg6[%dma_start3A_472, %dma_start3A_473, %dma_start3A_474] : memref<2x512x64xf32, #tpu.memory_space<vmem>> -> memref<1x128x64xf32, #tpu.memory_space<vmem>>
        %dma_start3A_476 = tpu.memref_squeeze %dma_start3A_475 : memref<1x128x64xf32, #tpu.memory_space<vmem>> -> memref<128x64xf32, #tpu.memory_space<vmem>>
        %dma_start3A_477 = tpu.memref_slice %arg4[%mul3A_469, %mul3A_471] : memref<4096x12800xf32, #tpu.memory_space<hbm>> -> memref<128x64xf32, #tpu.memory_space<hbm>>
        %dma_start3A_478 = tpu.memref_slice %arg4[%mul3A_469, %mul3A_471] : memref<4096x12800xf32, #tpu.memory_space<hbm>> -> memref<128x64xf32, #tpu.memory_space<hbm>>
        %dma_start3A_479 = arith.constant 256 : i32
        %dma_start3A_480 = arith.constant 0 : i32
        %dma_start3A_481 = tpu.memref_slice %arg6[%dma_start3A_472, %dma_start3A_479, %dma_start3A_480] : memref<2x512x64xf32, #tpu.memory_space<vmem>> -> memref<1x128x64xf32, #tpu.memory_space<vmem>>
        %dma_start3A_482 = tpu.memref_squeeze %dma_start3A_481 : memref<1x128x64xf32, #tpu.memory_space<vmem>> -> memref<128x64xf32, #tpu.memory_space<vmem>>
        tpu.enqueue_dma source(%dma_start3A_482 : memref<128x64xf32, #tpu.memory_space<vmem>>) target(%dma_start3A_478 : memref<128x64xf32, #tpu.memory_space<hbm>>) target_semaphore(%arg10 : memref<!tpu.dma_semaphore, #tpu.memory_space<semaphore_mem>>)
        %sub3A_483 = arith.constant 1 : i32
        %sub3A_484 = arith.subi %add3A_272, %sub3A_483 : i32
        %mul3A_485 = arith.constant 4 : i32
        %mul3A_486 = arith.muli %sub3A_484, %mul3A_485 : i32
        %add3A_487 = arith.constant 3 : i32
        %add3A_488 = arith.addi %mul3A_486, %add3A_487 : i32
        %mul3A_489 = arith.constant 128 : i32
        %mul3A_490 = arith.muli %add3A, %mul3A_489 : i32
        %mul3A_491 = arith.constant 64 : i32
        %mul3A_492 = arith.muli %add3A_488, %mul3A_491 : i32
        %dma_start3A_493 = arith.constant 1 : i32
        %dma_start3A_494 = arith.constant 384 : i32
        %dma_start3A_495 = arith.constant 0 : i32
        %dma_start3A_496 = tpu.memref_slice %arg6[%dma_start3A_493, %dma_start3A_494, %dma_start3A_495] : memref<2x512x64xf32, #tpu.memory_space<vmem>> -> memref<1x128x64xf32, #tpu.memory_space<vmem>>
        %dma_start3A_497 = tpu.memref_squeeze %dma_start3A_496 : memref<1x128x64xf32, #tpu.memory_space<vmem>> -> memref<128x64xf32, #tpu.memory_space<vmem>>
        %dma_start3A_498 = tpu.memref_slice %arg4[%mul3A_490, %mul3A_492] : memref<4096x12800xf32, #tpu.memory_space<hbm>> -> memref<128x64xf32, #tpu.memory_space<hbm>>
        %dma_start3A_499 = tpu.memref_slice %arg4[%mul3A_490, %mul3A_492] : memref<4096x12800xf32, #tpu.memory_space<hbm>> -> memref<128x64xf32, #tpu.memory_space<hbm>>
        %dma_start3A_500 = arith.constant 384 : i32
        %dma_start3A_501 = arith.constant 0 : i32
        %dma_start3A_502 = tpu.memref_slice %arg6[%dma_start3A_493, %dma_start3A_500, %dma_start3A_501] : memref<2x512x64xf32, #tpu.memory_space<vmem>> -> memref<1x128x64xf32, #tpu.memory_space<vmem>>
        %dma_start3A_503 = tpu.memref_squeeze %dma_start3A_502 : memref<1x128x64xf32, #tpu.memory_space<vmem>> -> memref<128x64xf32, #tpu.memory_space<vmem>>
        tpu.enqueue_dma source(%dma_start3A_503 : memref<128x64xf32, #tpu.memory_space<vmem>>) target(%dma_start3A_499 : memref<128x64xf32, #tpu.memory_space<hbm>>) target_semaphore(%arg10 : memref<!tpu.dma_semaphore, #tpu.memory_space<semaphore_mem>>)
      } else {
      }
      %mul3A_291 = arith.constant 2 : i32
      %mul3A_292 = arith.muli %scan3A_268, %mul3A_291 : i32
      %add3A_293 = arith.constant 1 : i32
      %add3A_294 = arith.addi %mul3A_292, %add3A_293 : i32
      %ge3A_295 = arith.constant 1 : i32
      %ge3A_296 = arith.cmpi sge, %scan3A_268, %ge3A_295 : i32
      %convert_element_type3A_297 = arith.extui %ge3A_296 : i1 to i32
      %cond3A_298 = arith.constant 0 : i32
      %cond3A_299 = arith.cmpi ne, %convert_element_type3A_297, %cond3A_298 : i32
      scf.if %cond3A_299 {
        %mul3A_407 = arith.constant 4 : i32
        %mul3A_408 = arith.muli %add3A_294, %mul3A_407 : i32
        %add3A_409 = arith.constant 0 : i32
        %add3A_410 = arith.addi %mul3A_408, %add3A_409 : i32
        %mul3A_411 = arith.constant 128 : i32
        %mul3A_412 = arith.muli %add3A, %mul3A_411 : i32
        %mul3A_413 = arith.constant 64 : i32
        %mul3A_414 = arith.muli %add3A_410, %mul3A_413 : i32
        %dma_wait3A_415 = arith.constant 1 : i32
        %dma_wait3A_416 = arith.constant 0 : i32
        %dma_wait3A_417 = arith.constant 0 : i32
        %dma_wait3A_418 = tpu.memref_slice %arg6[%dma_wait3A_415, %dma_wait3A_416, %dma_wait3A_417] : memref<2x512x64xf32, #tpu.memory_space<vmem>> -> memref<1x128x64xf32, #tpu.memory_space<vmem>>
        %dma_wait3A_419 = tpu.memref_squeeze %dma_wait3A_418 : memref<1x128x64xf32, #tpu.memory_space<vmem>> -> memref<128x64xf32, #tpu.memory_space<vmem>>
        %dma_wait3A_420 = tpu.memref_slice %arg4[%mul3A_412, %mul3A_414] : memref<4096x12800xf32, #tpu.memory_space<hbm>> -> memref<128x64xf32, #tpu.memory_space<hbm>>
        %dma_wait3A_421 = tpu.memref_slice %arg4[%mul3A_412, %mul3A_414] : memref<4096x12800xf32, #tpu.memory_space<hbm>> -> memref<128x64xf32, #tpu.memory_space<hbm>>
        %dma_wait3A_422 = arith.constant 0 : i32
        %dma_wait3A_423 = arith.constant 0 : i32
        %dma_wait3A_424 = tpu.memref_slice %arg6[%dma_wait3A_415, %dma_wait3A_422, %dma_wait3A_423] : memref<2x512x64xf32, #tpu.memory_space<vmem>> -> memref<1x128x64xf32, #tpu.memory_space<vmem>>
        %dma_wait3A_425 = tpu.memref_squeeze %dma_wait3A_424 : memref<1x128x64xf32, #tpu.memory_space<vmem>> -> memref<128x64xf32, #tpu.memory_space<vmem>>
        tpu.wait_dma2 semaphore(%arg10 : memref<!tpu.dma_semaphore, #tpu.memory_space<semaphore_mem>>) src(%dma_wait3A_425 : memref<128x64xf32, #tpu.memory_space<vmem>>) dst(%dma_wait3A_421 : memref<128x64xf32, #tpu.memory_space<hbm>>)
        %mul3A_426 = arith.constant 4 : i32
        %mul3A_427 = arith.muli %add3A_294, %mul3A_426 : i32
        %add3A_428 = arith.constant 1 : i32
        %add3A_429 = arith.addi %mul3A_427, %add3A_428 : i32
        %mul3A_430 = arith.constant 128 : i32
        %mul3A_431 = arith.muli %add3A, %mul3A_430 : i32
        %mul3A_432 = arith.constant 64 : i32
        %mul3A_433 = arith.muli %add3A_429, %mul3A_432 : i32
        %dma_wait3A_434 = arith.constant 1 : i32
        %dma_wait3A_435 = arith.constant 128 : i32
        %dma_wait3A_436 = arith.constant 0 : i32
        %dma_wait3A_437 = tpu.memref_slice %arg6[%dma_wait3A_434, %dma_wait3A_435, %dma_wait3A_436] : memref<2x512x64xf32, #tpu.memory_space<vmem>> -> memref<1x128x64xf32, #tpu.memory_space<vmem>>
        %dma_wait3A_438 = tpu.memref_squeeze %dma_wait3A_437 : memref<1x128x64xf32, #tpu.memory_space<vmem>> -> memref<128x64xf32, #tpu.memory_space<vmem>>
        %dma_wait3A_439 = tpu.memref_slice %arg4[%mul3A_431, %mul3A_433] : memref<4096x12800xf32, #tpu.memory_space<hbm>> -> memref<128x64xf32, #tpu.memory_space<hbm>>
        %dma_wait3A_440 = tpu.memref_slice %arg4[%mul3A_431, %mul3A_433] : memref<4096x12800xf32, #tpu.memory_space<hbm>> -> memref<128x64xf32, #tpu.memory_space<hbm>>
        %dma_wait3A_441 = arith.constant 128 : i32
        %dma_wait3A_442 = arith.constant 0 : i32
        %dma_wait3A_443 = tpu.memref_slice %arg6[%dma_wait3A_434, %dma_wait3A_441, %dma_wait3A_442] : memref<2x512x64xf32, #tpu.memory_space<vmem>> -> memref<1x128x64xf32, #tpu.memory_space<vmem>>
        %dma_wait3A_444 = tpu.memref_squeeze %dma_wait3A_443 : memref<1x128x64xf32, #tpu.memory_space<vmem>> -> memref<128x64xf32, #tpu.memory_space<vmem>>
        tpu.wait_dma2 semaphore(%arg10 : memref<!tpu.dma_semaphore, #tpu.memory_space<semaphore_mem>>) src(%dma_wait3A_444 : memref<128x64xf32, #tpu.memory_space<vmem>>) dst(%dma_wait3A_440 : memref<128x64xf32, #tpu.memory_space<hbm>>)
        %mul3A_445 = arith.constant 4 : i32
        %mul3A_446 = arith.muli %add3A_294, %mul3A_445 : i32
        %add3A_447 = arith.constant 2 : i32
        %add3A_448 = arith.addi %mul3A_446, %add3A_447 : i32
        %mul3A_449 = arith.constant 128 : i32
        %mul3A_450 = arith.muli %add3A, %mul3A_449 : i32
        %mul3A_451 = arith.constant 64 : i32
        %mul3A_452 = arith.muli %add3A_448, %mul3A_451 : i32
        %dma_wait3A_453 = arith.constant 1 : i32
        %dma_wait3A_454 = arith.constant 256 : i32
        %dma_wait3A_455 = arith.constant 0 : i32
        %dma_wait3A_456 = tpu.memref_slice %arg6[%dma_wait3A_453, %dma_wait3A_454, %dma_wait3A_455] : memref<2x512x64xf32, #tpu.memory_space<vmem>> -> memref<1x128x64xf32, #tpu.memory_space<vmem>>
        %dma_wait3A_457 = tpu.memref_squeeze %dma_wait3A_456 : memref<1x128x64xf32, #tpu.memory_space<vmem>> -> memref<128x64xf32, #tpu.memory_space<vmem>>
        %dma_wait3A_458 = tpu.memref_slice %arg4[%mul3A_450, %mul3A_452] : memref<4096x12800xf32, #tpu.memory_space<hbm>> -> memref<128x64xf32, #tpu.memory_space<hbm>>
        %dma_wait3A_459 = tpu.memref_slice %arg4[%mul3A_450, %mul3A_452] : memref<4096x12800xf32, #tpu.memory_space<hbm>> -> memref<128x64xf32, #tpu.memory_space<hbm>>
        %dma_wait3A_460 = arith.constant 256 : i32
        %dma_wait3A_461 = arith.constant 0 : i32
        %dma_wait3A_462 = tpu.memref_slice %arg6[%dma_wait3A_453, %dma_wait3A_460, %dma_wait3A_461] : memref<2x512x64xf32, #tpu.memory_space<vmem>> -> memref<1x128x64xf32, #tpu.memory_space<vmem>>
        %dma_wait3A_463 = tpu.memref_squeeze %dma_wait3A_462 : memref<1x128x64xf32, #tpu.memory_space<vmem>> -> memref<128x64xf32, #tpu.memory_space<vmem>>
        tpu.wait_dma2 semaphore(%arg10 : memref<!tpu.dma_semaphore, #tpu.memory_space<semaphore_mem>>) src(%dma_wait3A_463 : memref<128x64xf32, #tpu.memory_space<vmem>>) dst(%dma_wait3A_459 : memref<128x64xf32, #tpu.memory_space<hbm>>)
        %mul3A_464 = arith.constant 4 : i32
        %mul3A_465 = arith.muli %add3A_294, %mul3A_464 : i32
        %add3A_466 = arith.constant 3 : i32
        %add3A_467 = arith.addi %mul3A_465, %add3A_466 : i32
        %mul3A_468 = arith.constant 128 : i32
        %mul3A_469 = arith.muli %add3A, %mul3A_468 : i32
        %mul3A_470 = arith.constant 64 : i32
        %mul3A_471 = arith.muli %add3A_467, %mul3A_470 : i32
        %dma_wait3A_472 = arith.constant 1 : i32
        %dma_wait3A_473 = arith.constant 384 : i32
        %dma_wait3A_474 = arith.constant 0 : i32
        %dma_wait3A_475 = tpu.memref_slice %arg6[%dma_wait3A_472, %dma_wait3A_473, %dma_wait3A_474] : memref<2x512x64xf32, #tpu.memory_space<vmem>> -> memref<1x128x64xf32, #tpu.memory_space<vmem>>
        %dma_wait3A_476 = tpu.memref_squeeze %dma_wait3A_475 : memref<1x128x64xf32, #tpu.memory_space<vmem>> -> memref<128x64xf32, #tpu.memory_space<vmem>>
        %dma_wait3A_477 = tpu.memref_slice %arg4[%mul3A_469, %mul3A_471] : memref<4096x12800xf32, #tpu.memory_space<hbm>> -> memref<128x64xf32, #tpu.memory_space<hbm>>
        %dma_wait3A_478 = tpu.memref_slice %arg4[%mul3A_469, %mul3A_471] : memref<4096x12800xf32, #tpu.memory_space<hbm>> -> memref<128x64xf32, #tpu.memory_space<hbm>>
        %dma_wait3A_479 = arith.constant 384 : i32
        %dma_wait3A_480 = arith.constant 0 : i32
        %dma_wait3A_481 = tpu.memref_slice %arg6[%dma_wait3A_472, %dma_wait3A_479, %dma_wait3A_480] : memref<2x512x64xf32, #tpu.memory_space<vmem>> -> memref<1x128x64xf32, #tpu.memory_space<vmem>>
        %dma_wait3A_482 = tpu.memref_squeeze %dma_wait3A_481 : memref<1x128x64xf32, #tpu.memory_space<vmem>> -> memref<128x64xf32, #tpu.memory_space<vmem>>
        tpu.wait_dma2 semaphore(%arg10 : memref<!tpu.dma_semaphore, #tpu.memory_space<semaphore_mem>>) src(%dma_wait3A_482 : memref<128x64xf32, #tpu.memory_space<vmem>>) dst(%dma_wait3A_478 : memref<128x64xf32, #tpu.memory_space<hbm>>)
      } else {
      }
      %mul3A_300 = arith.constant 512 : i32
      %mul3A_301 = arith.muli %add3A_294, %mul3A_300 : i32
      %dma_start3A_302 = arith.constant 1 : i32
      %dma_start3A_303 = arith.constant 0 : i32
      %dma_start3A_304 = arith.constant 0 : i32
      %dma_start3A_305 = tpu.memref_slice %arg6[%dma_start3A_302, %dma_start3A_303, %dma_start3A_304] : memref<2x512x64xf32, #tpu.memory_space<vmem>> -> memref<1x512x64xf32, #tpu.memory_space<vmem>>
      %dma_start3A_306 = tpu.memref_squeeze %dma_start3A_305 : memref<1x512x64xf32, #tpu.memory_space<vmem>> -> memref<512x64xf32, #tpu.memory_space<vmem>>
      %dma_start3A_307 = tpu.memref_slice %arg5[%mul3A_301] : memref<25600xi32, #tpu.memory_space<vmem>> -> memref<512xi32, #tpu.memory_space<vmem>>
      %dma_start3A_308 = arith.constant 0 : i32
      %dma_start3A_309 = arith.constant 0 : i32
      %dma_start3A_310 = tpu.memref_slice %arg3[%dma_start3A_308, %dma_start3A_309] : memref<1000000x64xf32, #tpu.memory_space<hbm>> -> memref<1000000x64xf32, #tpu.memory_space<hbm>>
      tpu.enqueue_indirect_dma source(%dma_start3A_310 : memref<1000000x64xf32, #tpu.memory_space<hbm>>) target(%dma_start3A_306 : memref<512x64xf32, #tpu.memory_space<vmem>>) offsets(%dma_start3A_307 : memref<512xi32, #tpu.memory_space<vmem>>) semaphore(%arg8 : memref<!tpu.dma_semaphore, #tpu.memory_space<semaphore_mem>>)
      %sub3A = arith.constant 1 : i32
      %sub3A_311 = arith.subi %add3A_294, %sub3A : i32
      %mul3A_312 = arith.constant 512 : i32
      %mul3A_313 = arith.muli %sub3A_311, %mul3A_312 : i32
      %dma_wait3A_314 = arith.constant 0 : i32
      %dma_wait3A_315 = arith.constant 0 : i32
      %dma_wait3A_316 = arith.constant 0 : i32
      %dma_wait3A_317 = tpu.memref_slice %arg6[%dma_wait3A_314, %dma_wait3A_315, %dma_wait3A_316] : memref<2x512x64xf32, #tpu.memory_space<vmem>> -> memref<1x512x64xf32, #tpu.memory_space<vmem>>
      %dma_wait3A_318 = tpu.memref_squeeze %dma_wait3A_317 : memref<1x512x64xf32, #tpu.memory_space<vmem>> -> memref<512x64xf32, #tpu.memory_space<vmem>>
      %dma_wait3A_319 = tpu.memref_slice %arg5[%mul3A_313] : memref<25600xi32, #tpu.memory_space<vmem>> -> memref<512xi32, #tpu.memory_space<vmem>>
      %dma_wait3A_320 = arith.constant 0 : i32
      %dma_wait3A_321 = arith.constant 0 : i32
      %dma_wait3A_322 = tpu.memref_slice %arg3[%dma_wait3A_320, %dma_wait3A_321] : memref<1000000x64xf32, #tpu.memory_space<hbm>> -> memref<1000000x64xf32, #tpu.memory_space<hbm>>
      tpu.wait_indirect_dma semaphore(%arg7 : memref<!tpu.dma_semaphore, #tpu.memory_space<semaphore_mem>>) src(%dma_wait3A_322 : memref<1000000x64xf32, #tpu.memory_space<hbm>>) dst(%dma_wait3A_318 : memref<512x64xf32, #tpu.memory_space<vmem>>)
      %sub3A_323 = arith.constant 1 : i32
      %sub3A_324 = arith.subi %add3A_294, %sub3A_323 : i32
      %mul3A_325 = arith.constant 4 : i32
      %mul3A_326 = arith.muli %sub3A_324, %mul3A_325 : i32
      %add3A_327 = arith.constant 0 : i32
      %add3A_328 = arith.addi %mul3A_326, %add3A_327 : i32
      %mul3A_329 = arith.constant 128 : i32
      %mul3A_330 = arith.muli %add3A, %mul3A_329 : i32
      %mul3A_331 = arith.constant 64 : i32
      %mul3A_332 = arith.muli %add3A_328, %mul3A_331 : i32
      %dma_start3A_333 = arith.constant 0 : i32
      %dma_start3A_334 = arith.constant 0 : i32
      %dma_start3A_335 = arith.constant 0 : i32
      %dma_start3A_336 = tpu.memref_slice %arg6[%dma_start3A_333, %dma_start3A_334, %dma_start3A_335] : memref<2x512x64xf32, #tpu.memory_space<vmem>> -> memref<1x128x64xf32, #tpu.memory_space<vmem>>
      %dma_start3A_337 = tpu.memref_squeeze %dma_start3A_336 : memref<1x128x64xf32, #tpu.memory_space<vmem>> -> memref<128x64xf32, #tpu.memory_space<vmem>>
      %dma_start3A_338 = tpu.memref_slice %arg4[%mul3A_330, %mul3A_332] : memref<4096x12800xf32, #tpu.memory_space<hbm>> -> memref<128x64xf32, #tpu.memory_space<hbm>>
      %dma_start3A_339 = tpu.memref_slice %arg4[%mul3A_330, %mul3A_332] : memref<4096x12800xf32, #tpu.memory_space<hbm>> -> memref<128x64xf32, #tpu.memory_space<hbm>>
      %dma_start3A_340 = arith.constant 0 : i32
      %dma_start3A_341 = arith.constant 0 : i32
      %dma_start3A_342 = tpu.memref_slice %arg6[%dma_start3A_333, %dma_start3A_340, %dma_start3A_341] : memref<2x512x64xf32, #tpu.memory_space<vmem>> -> memref<1x128x64xf32, #tpu.memory_space<vmem>>
      %dma_start3A_343 = tpu.memref_squeeze %dma_start3A_342 : memref<1x128x64xf32, #tpu.memory_space<vmem>> -> memref<128x64xf32, #tpu.memory_space<vmem>>
      tpu.enqueue_dma source(%dma_start3A_343 : memref<128x64xf32, #tpu.memory_space<vmem>>) target(%dma_start3A_339 : memref<128x64xf32, #tpu.memory_space<hbm>>) target_semaphore(%arg9 : memref<!tpu.dma_semaphore, #tpu.memory_space<semaphore_mem>>)
      %sub3A_344 = arith.constant 1 : i32
      %sub3A_345 = arith.subi %add3A_294, %sub3A_344 : i32
      %mul3A_346 = arith.constant 4 : i32
      %mul3A_347 = arith.muli %sub3A_345, %mul3A_346 : i32
      %add3A_348 = arith.constant 1 : i32
      %add3A_349 = arith.addi %mul3A_347, %add3A_348 : i32
      %mul3A_350 = arith.constant 128 : i32
      %mul3A_351 = arith.muli %add3A, %mul3A_350 : i32
      %mul3A_352 = arith.constant 64 : i32
      %mul3A_353 = arith.muli %add3A_349, %mul3A_352 : i32
      %dma_start3A_354 = arith.constant 0 : i32
      %dma_start3A_355 = arith.constant 128 : i32
      %dma_start3A_356 = arith.constant 0 : i32
      %dma_start3A_357 = tpu.memref_slice %arg6[%dma_start3A_354, %dma_start3A_355, %dma_start3A_356] : memref<2x512x64xf32, #tpu.memory_space<vmem>> -> memref<1x128x64xf32, #tpu.memory_space<vmem>>
      %dma_start3A_358 = tpu.memref_squeeze %dma_start3A_357 : memref<1x128x64xf32, #tpu.memory_space<vmem>> -> memref<128x64xf32, #tpu.memory_space<vmem>>
      %dma_start3A_359 = tpu.memref_slice %arg4[%mul3A_351, %mul3A_353] : memref<4096x12800xf32, #tpu.memory_space<hbm>> -> memref<128x64xf32, #tpu.memory_space<hbm>>
      %dma_start3A_360 = tpu.memref_slice %arg4[%mul3A_351, %mul3A_353] : memref<4096x12800xf32, #tpu.memory_space<hbm>> -> memref<128x64xf32, #tpu.memory_space<hbm>>
      %dma_start3A_361 = arith.constant 128 : i32
      %dma_start3A_362 = arith.constant 0 : i32
      %dma_start3A_363 = tpu.memref_slice %arg6[%dma_start3A_354, %dma_start3A_361, %dma_start3A_362] : memref<2x512x64xf32, #tpu.memory_space<vmem>> -> memref<1x128x64xf32, #tpu.memory_space<vmem>>
      %dma_start3A_364 = tpu.memref_squeeze %dma_start3A_363 : memref<1x128x64xf32, #tpu.memory_space<vmem>> -> memref<128x64xf32, #tpu.memory_space<vmem>>
      tpu.enqueue_dma source(%dma_start3A_364 : memref<128x64xf32, #tpu.memory_space<vmem>>) target(%dma_start3A_360 : memref<128x64xf32, #tpu.memory_space<hbm>>) target_semaphore(%arg9 : memref<!tpu.dma_semaphore, #tpu.memory_space<semaphore_mem>>)
      %sub3A_365 = arith.constant 1 : i32
      %sub3A_366 = arith.subi %add3A_294, %sub3A_365 : i32
      %mul3A_367 = arith.constant 4 : i32
      %mul3A_368 = arith.muli %sub3A_366, %mul3A_367 : i32
      %add3A_369 = arith.constant 2 : i32
      %add3A_370 = arith.addi %mul3A_368, %add3A_369 : i32
      %mul3A_371 = arith.constant 128 : i32
      %mul3A_372 = arith.muli %add3A, %mul3A_371 : i32
      %mul3A_373 = arith.constant 64 : i32
      %mul3A_374 = arith.muli %add3A_370, %mul3A_373 : i32
      %dma_start3A_375 = arith.constant 0 : i32
      %dma_start3A_376 = arith.constant 256 : i32
      %dma_start3A_377 = arith.constant 0 : i32
      %dma_start3A_378 = tpu.memref_slice %arg6[%dma_start3A_375, %dma_start3A_376, %dma_start3A_377] : memref<2x512x64xf32, #tpu.memory_space<vmem>> -> memref<1x128x64xf32, #tpu.memory_space<vmem>>
      %dma_start3A_379 = tpu.memref_squeeze %dma_start3A_378 : memref<1x128x64xf32, #tpu.memory_space<vmem>> -> memref<128x64xf32, #tpu.memory_space<vmem>>
      %dma_start3A_380 = tpu.memref_slice %arg4[%mul3A_372, %mul3A_374] : memref<4096x12800xf32, #tpu.memory_space<hbm>> -> memref<128x64xf32, #tpu.memory_space<hbm>>
      %dma_start3A_381 = tpu.memref_slice %arg4[%mul3A_372, %mul3A_374] : memref<4096x12800xf32, #tpu.memory_space<hbm>> -> memref<128x64xf32, #tpu.memory_space<hbm>>
      %dma_start3A_382 = arith.constant 256 : i32
      %dma_start3A_383 = arith.constant 0 : i32
      %dma_start3A_384 = tpu.memref_slice %arg6[%dma_start3A_375, %dma_start3A_382, %dma_start3A_383] : memref<2x512x64xf32, #tpu.memory_space<vmem>> -> memref<1x128x64xf32, #tpu.memory_space<vmem>>
      %dma_start3A_385 = tpu.memref_squeeze %dma_start3A_384 : memref<1x128x64xf32, #tpu.memory_space<vmem>> -> memref<128x64xf32, #tpu.memory_space<vmem>>
      tpu.enqueue_dma source(%dma_start3A_385 : memref<128x64xf32, #tpu.memory_space<vmem>>) target(%dma_start3A_381 : memref<128x64xf32, #tpu.memory_space<hbm>>) target_semaphore(%arg9 : memref<!tpu.dma_semaphore, #tpu.memory_space<semaphore_mem>>)
      %sub3A_386 = arith.constant 1 : i32
      %sub3A_387 = arith.subi %add3A_294, %sub3A_386 : i32
      %mul3A_388 = arith.constant 4 : i32
      %mul3A_389 = arith.muli %sub3A_387, %mul3A_388 : i32
      %add3A_390 = arith.constant 3 : i32
      %add3A_391 = arith.addi %mul3A_389, %add3A_390 : i32
      %mul3A_392 = arith.constant 128 : i32
      %mul3A_393 = arith.muli %add3A, %mul3A_392 : i32
      %mul3A_394 = arith.constant 64 : i32
      %mul3A_395 = arith.muli %add3A_391, %mul3A_394 : i32
      %dma_start3A_396 = arith.constant 0 : i32
      %dma_start3A_397 = arith.constant 384 : i32
      %dma_start3A_398 = arith.constant 0 : i32
      %dma_start3A_399 = tpu.memref_slice %arg6[%dma_start3A_396, %dma_start3A_397, %dma_start3A_398] : memref<2x512x64xf32, #tpu.memory_space<vmem>> -> memref<1x128x64xf32, #tpu.memory_space<vmem>>
      %dma_start3A_400 = tpu.memref_squeeze %dma_start3A_399 : memref<1x128x64xf32, #tpu.memory_space<vmem>> -> memref<128x64xf32, #tpu.memory_space<vmem>>
      %dma_start3A_401 = tpu.memref_slice %arg4[%mul3A_393, %mul3A_395] : memref<4096x12800xf32, #tpu.memory_space<hbm>> -> memref<128x64xf32, #tpu.memory_space<hbm>>
      %dma_start3A_402 = tpu.memref_slice %arg4[%mul3A_393, %mul3A_395] : memref<4096x12800xf32, #tpu.memory_space<hbm>> -> memref<128x64xf32, #tpu.memory_space<hbm>>
      %dma_start3A_403 = arith.constant 384 : i32
      %dma_start3A_404 = arith.constant 0 : i32
      %dma_start3A_405 = tpu.memref_slice %arg6[%dma_start3A_396, %dma_start3A_403, %dma_start3A_404] : memref<2x512x64xf32, #tpu.memory_space<vmem>> -> memref<1x128x64xf32, #tpu.memory_space<vmem>>
      %dma_start3A_406 = tpu.memref_squeeze %dma_start3A_405 : memref<1x128x64xf32, #tpu.memory_space<vmem>> -> memref<128x64xf32, #tpu.memory_space<vmem>>
      tpu.enqueue_dma source(%dma_start3A_406 : memref<128x64xf32, #tpu.memory_space<vmem>>) target(%dma_start3A_402 : memref<128x64xf32, #tpu.memory_space<hbm>>) target_semaphore(%arg9 : memref<!tpu.dma_semaphore, #tpu.memory_space<semaphore_mem>>)
    }
    %scan3A_79 = arith.constant 25 : i32
    %dma_wait3A = arith.constant 1 : i32
    %dma_wait3A_80 = arith.constant 0 : i32
    %dma_wait3A_81 = arith.constant 0 : i32
    %dma_wait3A_82 = tpu.memref_slice %arg6[%dma_wait3A, %dma_wait3A_80, %dma_wait3A_81] : memref<2x512x64xf32, #tpu.memory_space<vmem>> -> memref<1x512x64xf32, #tpu.memory_space<vmem>>
    %dma_wait3A_83 = tpu.memref_squeeze %dma_wait3A_82 : memref<1x512x64xf32, #tpu.memory_space<vmem>> -> memref<512x64xf32, #tpu.memory_space<vmem>>
    %dma_wait3A_84 = arith.constant 25088 : i32
    %dma_wait3A_85 = tpu.memref_slice %arg5[%dma_wait3A_84] : memref<25600xi32, #tpu.memory_space<vmem>> -> memref<512xi32, #tpu.memory_space<vmem>>
    %dma_wait3A_86 = arith.constant 0 : i32
    %dma_wait3A_87 = arith.constant 0 : i32
    %dma_wait3A_88 = tpu.memref_slice %arg3[%dma_wait3A_86, %dma_wait3A_87] : memref<1000000x64xf32, #tpu.memory_space<hbm>> -> memref<1000000x64xf32, #tpu.memory_space<hbm>>
    tpu.wait_indirect_dma semaphore(%arg8 : memref<!tpu.dma_semaphore, #tpu.memory_space<semaphore_mem>>) src(%dma_wait3A_88 : memref<1000000x64xf32, #tpu.memory_space<hbm>>) dst(%dma_wait3A_83 : memref<512x64xf32, #tpu.memory_space<vmem>>)
    %mul3A_89 = arith.constant 128 : i32
    %mul3A_90 = arith.muli %add3A, %mul3A_89 : i32
    %dma_start3A = arith.constant 1 : i32
    %dma_start3A_91 = arith.constant 0 : i32
    %dma_start3A_92 = arith.constant 0 : i32
    %dma_start3A_93 = tpu.memref_slice %arg6[%dma_start3A, %dma_start3A_91, %dma_start3A_92] : memref<2x512x64xf32, #tpu.memory_space<vmem>> -> memref<1x128x64xf32, #tpu.memory_space<vmem>>
    %dma_start3A_94 = tpu.memref_squeeze %dma_start3A_93 : memref<1x128x64xf32, #tpu.memory_space<vmem>> -> memref<128x64xf32, #tpu.memory_space<vmem>>
    %dma_start3A_95 = arith.constant 12544 : i32
    %dma_start3A_96 = tpu.memref_slice %arg4[%mul3A_90, %dma_start3A_95] : memref<4096x12800xf32, #tpu.memory_space<hbm>> -> memref<128x64xf32, #tpu.memory_space<hbm>>
    %dma_start3A_97 = arith.constant 12544 : i32
    %dma_start3A_98 = tpu.memref_slice %arg4[%mul3A_90, %dma_start3A_97] : memref<4096x12800xf32, #tpu.memory_space<hbm>> -> memref<128x64xf32, #tpu.memory_space<hbm>>
    %dma_start3A_99 = arith.constant 0 : i32
    %dma_start3A_100 = arith.constant 0 : i32
    %dma_start3A_101 = tpu.memref_slice %arg6[%dma_start3A, %dma_start3A_99, %dma_start3A_100] : memref<2x512x64xf32, #tpu.memory_space<vmem>> -> memref<1x128x64xf32, #tpu.memory_space<vmem>>
    %dma_start3A_102 = tpu.memref_squeeze %dma_start3A_101 : memref<1x128x64xf32, #tpu.memory_space<vmem>> -> memref<128x64xf32, #tpu.memory_space<vmem>>
    tpu.enqueue_dma source(%dma_start3A_102 : memref<128x64xf32, #tpu.memory_space<vmem>>) target(%dma_start3A_98 : memref<128x64xf32, #tpu.memory_space<hbm>>) target_semaphore(%arg10 : memref<!tpu.dma_semaphore, #tpu.memory_space<semaphore_mem>>)
    %mul3A_103 = arith.constant 128 : i32
    %mul3A_104 = arith.muli %add3A, %mul3A_103 : i32
    %dma_start3A_105 = arith.constant 1 : i32
    %dma_start3A_106 = arith.constant 128 : i32
    %dma_start3A_107 = arith.constant 0 : i32
    %dma_start3A_108 = tpu.memref_slice %arg6[%dma_start3A_105, %dma_start3A_106, %dma_start3A_107] : memref<2x512x64xf32, #tpu.memory_space<vmem>> -> memref<1x128x64xf32, #tpu.memory_space<vmem>>
    %dma_start3A_109 = tpu.memref_squeeze %dma_start3A_108 : memref<1x128x64xf32, #tpu.memory_space<vmem>> -> memref<128x64xf32, #tpu.memory_space<vmem>>
    %dma_start3A_110 = arith.constant 12608 : i32
    %dma_start3A_111 = tpu.memref_slice %arg4[%mul3A_104, %dma_start3A_110] : memref<4096x12800xf32, #tpu.memory_space<hbm>> -> memref<128x64xf32, #tpu.memory_space<hbm>>
    %dma_start3A_112 = arith.constant 12608 : i32
    %dma_start3A_113 = tpu.memref_slice %arg4[%mul3A_104, %dma_start3A_112] : memref<4096x12800xf32, #tpu.memory_space<hbm>> -> memref<128x64xf32, #tpu.memory_space<hbm>>
    %dma_start3A_114 = arith.constant 128 : i32
    %dma_start3A_115 = arith.constant 0 : i32
    %dma_start3A_116 = tpu.memref_slice %arg6[%dma_start3A_105, %dma_start3A_114, %dma_start3A_115] : memref<2x512x64xf32, #tpu.memory_space<vmem>> -> memref<1x128x64xf32, #tpu.memory_space<vmem>>
    %dma_start3A_117 = tpu.memref_squeeze %dma_start3A_116 : memref<1x128x64xf32, #tpu.memory_space<vmem>> -> memref<128x64xf32, #tpu.memory_space<vmem>>
    tpu.enqueue_dma source(%dma_start3A_117 : memref<128x64xf32, #tpu.memory_space<vmem>>) target(%dma_start3A_113 : memref<128x64xf32, #tpu.memory_space<hbm>>) target_semaphore(%arg10 : memref<!tpu.dma_semaphore, #tpu.memory_space<semaphore_mem>>)
    %mul3A_118 = arith.constant 128 : i32
    %mul3A_119 = arith.muli %add3A, %mul3A_118 : i32
    %dma_start3A_120 = arith.constant 1 : i32
    %dma_start3A_121 = arith.constant 256 : i32
    %dma_start3A_122 = arith.constant 0 : i32
    %dma_start3A_123 = tpu.memref_slice %arg6[%dma_start3A_120, %dma_start3A_121, %dma_start3A_122] : memref<2x512x64xf32, #tpu.memory_space<vmem>> -> memref<1x128x64xf32, #tpu.memory_space<vmem>>
    %dma_start3A_124 = tpu.memref_squeeze %dma_start3A_123 : memref<1x128x64xf32, #tpu.memory_space<vmem>> -> memref<128x64xf32, #tpu.memory_space<vmem>>
    %dma_start3A_125 = arith.constant 12672 : i32
    %dma_start3A_126 = tpu.memref_slice %arg4[%mul3A_119, %dma_start3A_125] : memref<4096x12800xf32, #tpu.memory_space<hbm>> -> memref<128x64xf32, #tpu.memory_space<hbm>>
    %dma_start3A_127 = arith.constant 12672 : i32
    %dma_start3A_128 = tpu.memref_slice %arg4[%mul3A_119, %dma_start3A_127] : memref<4096x12800xf32, #tpu.memory_space<hbm>> -> memref<128x64xf32, #tpu.memory_space<hbm>>
    %dma_start3A_129 = arith.constant 256 : i32
    %dma_start3A_130 = arith.constant 0 : i32
    %dma_start3A_131 = tpu.memref_slice %arg6[%dma_start3A_120, %dma_start3A_129, %dma_start3A_130] : memref<2x512x64xf32, #tpu.memory_space<vmem>> -> memref<1x128x64xf32, #tpu.memory_space<vmem>>
    %dma_start3A_132 = tpu.memref_squeeze %dma_start3A_131 : memref<1x128x64xf32, #tpu.memory_space<vmem>> -> memref<128x64xf32, #tpu.memory_space<vmem>>
    tpu.enqueue_dma source(%dma_start3A_132 : memref<128x64xf32, #tpu.memory_space<vmem>>) target(%dma_start3A_128 : memref<128x64xf32, #tpu.memory_space<hbm>>) target_semaphore(%arg10 : memref<!tpu.dma_semaphore, #tpu.memory_space<semaphore_mem>>)
    %mul3A_133 = arith.constant 128 : i32
    %mul3A_134 = arith.muli %add3A, %mul3A_133 : i32
    %dma_start3A_135 = arith.constant 1 : i32
    %dma_start3A_136 = arith.constant 384 : i32
    %dma_start3A_137 = arith.constant 0 : i32
    %dma_start3A_138 = tpu.memref_slice %arg6[%dma_start3A_135, %dma_start3A_136, %dma_start3A_137] : memref<2x512x64xf32, #tpu.memory_space<vmem>> -> memref<1x128x64xf32, #tpu.memory_space<vmem>>
    %dma_start3A_139 = tpu.memref_squeeze %dma_start3A_138 : memref<1x128x64xf32, #tpu.memory_space<vmem>> -> memref<128x64xf32, #tpu.memory_space<vmem>>
    %dma_start3A_140 = arith.constant 12736 : i32
    %dma_start3A_141 = tpu.memref_slice %arg4[%mul3A_134, %dma_start3A_140] : memref<4096x12800xf32, #tpu.memory_space<hbm>> -> memref<128x64xf32, #tpu.memory_space<hbm>>
    %dma_start3A_142 = arith.constant 12736 : i32
    %dma_start3A_143 = tpu.memref_slice %arg4[%mul3A_134, %dma_start3A_142] : memref<4096x12800xf32, #tpu.memory_space<hbm>> -> memref<128x64xf32, #tpu.memory_space<hbm>>
    %dma_start3A_144 = arith.constant 384 : i32
    %dma_start3A_145 = arith.constant 0 : i32
    %dma_start3A_146 = tpu.memref_slice %arg6[%dma_start3A_135, %dma_start3A_144, %dma_start3A_145] : memref<2x512x64xf32, #tpu.memory_space<vmem>> -> memref<1x128x64xf32, #tpu.memory_space<vmem>>
    %dma_start3A_147 = tpu.memref_squeeze %dma_start3A_146 : memref<1x128x64xf32, #tpu.memory_space<vmem>> -> memref<128x64xf32, #tpu.memory_space<vmem>>
    tpu.enqueue_dma source(%dma_start3A_147 : memref<128x64xf32, #tpu.memory_space<vmem>>) target(%dma_start3A_143 : memref<128x64xf32, #tpu.memory_space<hbm>>) target_semaphore(%arg10 : memref<!tpu.dma_semaphore, #tpu.memory_space<semaphore_mem>>)
    %mul3A_148 = arith.constant 128 : i32
    %mul3A_149 = arith.muli %add3A, %mul3A_148 : i32
    %dma_wait3A_150 = arith.constant 0 : i32
    %dma_wait3A_151 = arith.constant 0 : i32
    %dma_wait3A_152 = arith.constant 0 : i32
    %dma_wait3A_153 = tpu.memref_slice %arg6[%dma_wait3A_150, %dma_wait3A_151, %dma_wait3A_152] : memref<2x512x64xf32, #tpu.memory_space<vmem>> -> memref<1x128x64xf32, #tpu.memory_space<vmem>>
    %dma_wait3A_154 = tpu.memref_squeeze %dma_wait3A_153 : memref<1x128x64xf32, #tpu.memory_space<vmem>> -> memref<128x64xf32, #tpu.memory_space<vmem>>
    %dma_wait3A_155 = arith.constant 12288 : i32
    %dma_wait3A_156 = tpu.memref_slice %arg4[%mul3A_149, %dma_wait3A_155] : memref<4096x12800xf32, #tpu.memory_space<hbm>> -> memref<128x64xf32, #tpu.memory_space<hbm>>
    %dma_wait3A_157 = arith.constant 12288 : i32
    %dma_wait3A_158 = tpu.memref_slice %arg4[%mul3A_149, %dma_wait3A_157] : memref<4096x12800xf32, #tpu.memory_space<hbm>> -> memref<128x64xf32, #tpu.memory_space<hbm>>
    %dma_wait3A_159 = arith.constant 0 : i32
    %dma_wait3A_160 = arith.constant 0 : i32
    %dma_wait3A_161 = tpu.memref_slice %arg6[%dma_wait3A_150, %dma_wait3A_159, %dma_wait3A_160] : memref<2x512x64xf32, #tpu.memory_space<vmem>> -> memref<1x128x64xf32, #tpu.memory_space<vmem>>
    %dma_wait3A_162 = tpu.memref_squeeze %dma_wait3A_161 : memref<1x128x64xf32, #tpu.memory_space<vmem>> -> memref<128x64xf32, #tpu.memory_space<vmem>>
    tpu.wait_dma2 semaphore(%arg9 : memref<!tpu.dma_semaphore, #tpu.memory_space<semaphore_mem>>) src(%dma_wait3A_162 : memref<128x64xf32, #tpu.memory_space<vmem>>) dst(%dma_wait3A_158 : memref<128x64xf32, #tpu.memory_space<hbm>>)
    %mul3A_163 = arith.constant 128 : i32
    %mul3A_164 = arith.muli %add3A, %mul3A_163 : i32
    %dma_wait3A_165 = arith.constant 0 : i32
    %dma_wait3A_166 = arith.constant 128 : i32
    %dma_wait3A_167 = arith.constant 0 : i32
    %dma_wait3A_168 = tpu.memref_slice %arg6[%dma_wait3A_165, %dma_wait3A_166, %dma_wait3A_167] : memref<2x512x64xf32, #tpu.memory_space<vmem>> -> memref<1x128x64xf32, #tpu.memory_space<vmem>>
    %dma_wait3A_169 = tpu.memref_squeeze %dma_wait3A_168 : memref<1x128x64xf32, #tpu.memory_space<vmem>> -> memref<128x64xf32, #tpu.memory_space<vmem>>
    %dma_wait3A_170 = arith.constant 12352 : i32
    %dma_wait3A_171 = tpu.memref_slice %arg4[%mul3A_164, %dma_wait3A_170] : memref<4096x12800xf32, #tpu.memory_space<hbm>> -> memref<128x64xf32, #tpu.memory_space<hbm>>
    %dma_wait3A_172 = arith.constant 12352 : i32
    %dma_wait3A_173 = tpu.memref_slice %arg4[%mul3A_164, %dma_wait3A_172] : memref<4096x12800xf32, #tpu.memory_space<hbm>> -> memref<128x64xf32, #tpu.memory_space<hbm>>
    %dma_wait3A_174 = arith.constant 128 : i32
    %dma_wait3A_175 = arith.constant 0 : i32
    %dma_wait3A_176 = tpu.memref_slice %arg6[%dma_wait3A_165, %dma_wait3A_174, %dma_wait3A_175] : memref<2x512x64xf32, #tpu.memory_space<vmem>> -> memref<1x128x64xf32, #tpu.memory_space<vmem>>
    %dma_wait3A_177 = tpu.memref_squeeze %dma_wait3A_176 : memref<1x128x64xf32, #tpu.memory_space<vmem>> -> memref<128x64xf32, #tpu.memory_space<vmem>>
    tpu.wait_dma2 semaphore(%arg9 : memref<!tpu.dma_semaphore, #tpu.memory_space<semaphore_mem>>) src(%dma_wait3A_177 : memref<128x64xf32, #tpu.memory_space<vmem>>) dst(%dma_wait3A_173 : memref<128x64xf32, #tpu.memory_space<hbm>>)
    %mul3A_178 = arith.constant 128 : i32
    %mul3A_179 = arith.muli %add3A, %mul3A_178 : i32
    %dma_wait3A_180 = arith.constant 0 : i32
    %dma_wait3A_181 = arith.constant 256 : i32
    %dma_wait3A_182 = arith.constant 0 : i32
    %dma_wait3A_183 = tpu.memref_slice %arg6[%dma_wait3A_180, %dma_wait3A_181, %dma_wait3A_182] : memref<2x512x64xf32, #tpu.memory_space<vmem>> -> memref<1x128x64xf32, #tpu.memory_space<vmem>>
    %dma_wait3A_184 = tpu.memref_squeeze %dma_wait3A_183 : memref<1x128x64xf32, #tpu.memory_space<vmem>> -> memref<128x64xf32, #tpu.memory_space<vmem>>
    %dma_wait3A_185 = arith.constant 12416 : i32
    %dma_wait3A_186 = tpu.memref_slice %arg4[%mul3A_179, %dma_wait3A_185] : memref<4096x12800xf32, #tpu.memory_space<hbm>> -> memref<128x64xf32, #tpu.memory_space<hbm>>
    %dma_wait3A_187 = arith.constant 12416 : i32
    %dma_wait3A_188 = tpu.memref_slice %arg4[%mul3A_179, %dma_wait3A_187] : memref<4096x12800xf32, #tpu.memory_space<hbm>> -> memref<128x64xf32, #tpu.memory_space<hbm>>
    %dma_wait3A_189 = arith.constant 256 : i32
    %dma_wait3A_190 = arith.constant 0 : i32
    %dma_wait3A_191 = tpu.memref_slice %arg6[%dma_wait3A_180, %dma_wait3A_189, %dma_wait3A_190] : memref<2x512x64xf32, #tpu.memory_space<vmem>> -> memref<1x128x64xf32, #tpu.memory_space<vmem>>
    %dma_wait3A_192 = tpu.memref_squeeze %dma_wait3A_191 : memref<1x128x64xf32, #tpu.memory_space<vmem>> -> memref<128x64xf32, #tpu.memory_space<vmem>>
    tpu.wait_dma2 semaphore(%arg9 : memref<!tpu.dma_semaphore, #tpu.memory_space<semaphore_mem>>) src(%dma_wait3A_192 : memref<128x64xf32, #tpu.memory_space<vmem>>) dst(%dma_wait3A_188 : memref<128x64xf32, #tpu.memory_space<hbm>>)
    %mul3A_193 = arith.constant 128 : i32
    %mul3A_194 = arith.muli %add3A, %mul3A_193 : i32
    %dma_wait3A_195 = arith.constant 0 : i32
    %dma_wait3A_196 = arith.constant 384 : i32
    %dma_wait3A_197 = arith.constant 0 : i32
    %dma_wait3A_198 = tpu.memref_slice %arg6[%dma_wait3A_195, %dma_wait3A_196, %dma_wait3A_197] : memref<2x512x64xf32, #tpu.memory_space<vmem>> -> memref<1x128x64xf32, #tpu.memory_space<vmem>>
    %dma_wait3A_199 = tpu.memref_squeeze %dma_wait3A_198 : memref<1x128x64xf32, #tpu.memory_space<vmem>> -> memref<128x64xf32, #tpu.memory_space<vmem>>
    %dma_wait3A_200 = arith.constant 12480 : i32
    %dma_wait3A_201 = tpu.memref_slice %arg4[%mul3A_194, %dma_wait3A_200] : memref<4096x12800xf32, #tpu.memory_space<hbm>> -> memref<128x64xf32, #tpu.memory_space<hbm>>
    %dma_wait3A_202 = arith.constant 12480 : i32
    %dma_wait3A_203 = tpu.memref_slice %arg4[%mul3A_194, %dma_wait3A_202] : memref<4096x12800xf32, #tpu.memory_space<hbm>> -> memref<128x64xf32, #tpu.memory_space<hbm>>
    %dma_wait3A_204 = arith.constant 384 : i32
    %dma_wait3A_205 = arith.constant 0 : i32
    %dma_wait3A_206 = tpu.memref_slice %arg6[%dma_wait3A_195, %dma_wait3A_204, %dma_wait3A_205] : memref<2x512x64xf32, #tpu.memory_space<vmem>> -> memref<1x128x64xf32, #tpu.memory_space<vmem>>
    %dma_wait3A_207 = tpu.memref_squeeze %dma_wait3A_206 : memref<1x128x64xf32, #tpu.memory_space<vmem>> -> memref<128x64xf32, #tpu.memory_space<vmem>>
    tpu.wait_dma2 semaphore(%arg9 : memref<!tpu.dma_semaphore, #tpu.memory_space<semaphore_mem>>) src(%dma_wait3A_207 : memref<128x64xf32, #tpu.memory_space<vmem>>) dst(%dma_wait3A_203 : memref<128x64xf32, #tpu.memory_space<hbm>>)
    %mul3A_208 = arith.constant 128 : i32
    %mul3A_209 = arith.muli %add3A, %mul3A_208 : i32
    %dma_wait3A_210 = arith.constant 1 : i32
    %dma_wait3A_211 = arith.constant 0 : i32
    %dma_wait3A_212 = arith.constant 0 : i32
    %dma_wait3A_213 = tpu.memref_slice %arg6[%dma_wait3A_210, %dma_wait3A_211, %dma_wait3A_212] : memref<2x512x64xf32, #tpu.memory_space<vmem>> -> memref<1x128x64xf32, #tpu.memory_space<vmem>>
    %dma_wait3A_214 = tpu.memref_squeeze %dma_wait3A_213 : memref<1x128x64xf32, #tpu.memory_space<vmem>> -> memref<128x64xf32, #tpu.memory_space<vmem>>
    %dma_wait3A_215 = arith.constant 12544 : i32
    %dma_wait3A_216 = tpu.memref_slice %arg4[%mul3A_209, %dma_wait3A_215] : memref<4096x12800xf32, #tpu.memory_space<hbm>> -> memref<128x64xf32, #tpu.memory_space<hbm>>
    %dma_wait3A_217 = arith.constant 12544 : i32
    %dma_wait3A_218 = tpu.memref_slice %arg4[%mul3A_209, %dma_wait3A_217] : memref<4096x12800xf32, #tpu.memory_space<hbm>> -> memref<128x64xf32, #tpu.memory_space<hbm>>
    %dma_wait3A_219 = arith.constant 0 : i32
    %dma_wait3A_220 = arith.constant 0 : i32
    %dma_wait3A_221 = tpu.memref_slice %arg6[%dma_wait3A_210, %dma_wait3A_219, %dma_wait3A_220] : memref<2x512x64xf32, #tpu.memory_space<vmem>> -> memref<1x128x64xf32, #tpu.memory_space<vmem>>
    %dma_wait3A_222 = tpu.memref_squeeze %dma_wait3A_221 : memref<1x128x64xf32, #tpu.memory_space<vmem>> -> memref<128x64xf32, #tpu.memory_space<vmem>>
    tpu.wait_dma2 semaphore(%arg10 : memref<!tpu.dma_semaphore, #tpu.memory_space<semaphore_mem>>) src(%dma_wait3A_222 : memref<128x64xf32, #tpu.memory_space<vmem>>) dst(%dma_wait3A_218 : memref<128x64xf32, #tpu.memory_space<hbm>>)
    %mul3A_223 = arith.constant 128 : i32
    %mul3A_224 = arith.muli %add3A, %mul3A_223 : i32
    %dma_wait3A_225 = arith.constant 1 : i32
    %dma_wait3A_226 = arith.constant 128 : i32
    %dma_wait3A_227 = arith.constant 0 : i32
    %dma_wait3A_228 = tpu.memref_slice %arg6[%dma_wait3A_225, %dma_wait3A_226, %dma_wait3A_227] : memref<2x512x64xf32, #tpu.memory_space<vmem>> -> memref<1x128x64xf32, #tpu.memory_space<vmem>>
    %dma_wait3A_229 = tpu.memref_squeeze %dma_wait3A_228 : memref<1x128x64xf32, #tpu.memory_space<vmem>> -> memref<128x64xf32, #tpu.memory_space<vmem>>
    %dma_wait3A_230 = arith.constant 12608 : i32
    %dma_wait3A_231 = tpu.memref_slice %arg4[%mul3A_224, %dma_wait3A_230] : memref<4096x12800xf32, #tpu.memory_space<hbm>> -> memref<128x64xf32, #tpu.memory_space<hbm>>
    %dma_wait3A_232 = arith.constant 12608 : i32
    %dma_wait3A_233 = tpu.memref_slice %arg4[%mul3A_224, %dma_wait3A_232] : memref<4096x12800xf32, #tpu.memory_space<hbm>> -> memref<128x64xf32, #tpu.memory_space<hbm>>
    %dma_wait3A_234 = arith.constant 128 : i32
    %dma_wait3A_235 = arith.constant 0 : i32
    %dma_wait3A_236 = tpu.memref_slice %arg6[%dma_wait3A_225, %dma_wait3A_234, %dma_wait3A_235] : memref<2x512x64xf32, #tpu.memory_space<vmem>> -> memref<1x128x64xf32, #tpu.memory_space<vmem>>
    %dma_wait3A_237 = tpu.memref_squeeze %dma_wait3A_236 : memref<1x128x64xf32, #tpu.memory_space<vmem>> -> memref<128x64xf32, #tpu.memory_space<vmem>>
    tpu.wait_dma2 semaphore(%arg10 : memref<!tpu.dma_semaphore, #tpu.memory_space<semaphore_mem>>) src(%dma_wait3A_237 : memref<128x64xf32, #tpu.memory_space<vmem>>) dst(%dma_wait3A_233 : memref<128x64xf32, #tpu.memory_space<hbm>>)
    %mul3A_238 = arith.constant 128 : i32
    %mul3A_239 = arith.muli %add3A, %mul3A_238 : i32
    %dma_wait3A_240 = arith.constant 1 : i32
    %dma_wait3A_241 = arith.constant 256 : i32
    %dma_wait3A_242 = arith.constant 0 : i32
    %dma_wait3A_243 = tpu.memref_slice %arg6[%dma_wait3A_240, %dma_wait3A_241, %dma_wait3A_242] : memref<2x512x64xf32, #tpu.memory_space<vmem>> -> memref<1x128x64xf32, #tpu.memory_space<vmem>>
    %dma_wait3A_244 = tpu.memref_squeeze %dma_wait3A_243 : memref<1x128x64xf32, #tpu.memory_space<vmem>> -> memref<128x64xf32, #tpu.memory_space<vmem>>
    %dma_wait3A_245 = arith.constant 12672 : i32
    %dma_wait3A_246 = tpu.memref_slice %arg4[%mul3A_239, %dma_wait3A_245] : memref<4096x12800xf32, #tpu.memory_space<hbm>> -> memref<128x64xf32, #tpu.memory_space<hbm>>
    %dma_wait3A_247 = arith.constant 12672 : i32
    %dma_wait3A_248 = tpu.memref_slice %arg4[%mul3A_239, %dma_wait3A_247] : memref<4096x12800xf32, #tpu.memory_space<hbm>> -> memref<128x64xf32, #tpu.memory_space<hbm>>
    %dma_wait3A_249 = arith.constant 256 : i32
    %dma_wait3A_250 = arith.constant 0 : i32
    %dma_wait3A_251 = tpu.memref_slice %arg6[%dma_wait3A_240, %dma_wait3A_249, %dma_wait3A_250] : memref<2x512x64xf32, #tpu.memory_space<vmem>> -> memref<1x128x64xf32, #tpu.memory_space<vmem>>
    %dma_wait3A_252 = tpu.memref_squeeze %dma_wait3A_251 : memref<1x128x64xf32, #tpu.memory_space<vmem>> -> memref<128x64xf32, #tpu.memory_space<vmem>>
    tpu.wait_dma2 semaphore(%arg10 : memref<!tpu.dma_semaphore, #tpu.memory_space<semaphore_mem>>) src(%dma_wait3A_252 : memref<128x64xf32, #tpu.memory_space<vmem>>) dst(%dma_wait3A_248 : memref<128x64xf32, #tpu.memory_space<hbm>>)
    %mul3A_253 = arith.constant 128 : i32
    %mul3A_254 = arith.muli %add3A, %mul3A_253 : i32
    %dma_wait3A_255 = arith.constant 1 : i32
    %dma_wait3A_256 = arith.constant 384 : i32
    %dma_wait3A_257 = arith.constant 0 : i32
    %dma_wait3A_258 = tpu.memref_slice %arg6[%dma_wait3A_255, %dma_wait3A_256, %dma_wait3A_257] : memref<2x512x64xf32, #tpu.memory_space<vmem>> -> memref<1x128x64xf32, #tpu.memory_space<vmem>>
    %dma_wait3A_259 = tpu.memref_squeeze %dma_wait3A_258 : memref<1x128x64xf32, #tpu.memory_space<vmem>> -> memref<128x64xf32, #tpu.memory_space<vmem>>
    %dma_wait3A_260 = arith.constant 12736 : i32
    %dma_wait3A_261 = tpu.memref_slice %arg4[%mul3A_254, %dma_wait3A_260] : memref<4096x12800xf32, #tpu.memory_space<hbm>> -> memref<128x64xf32, #tpu.memory_space<hbm>>
    %dma_wait3A_262 = arith.constant 12736 : i32
    %dma_wait3A_263 = tpu.memref_slice %arg4[%mul3A_254, %dma_wait3A_262] : memref<4096x12800xf32, #tpu.memory_space<hbm>> -> memref<128x64xf32, #tpu.memory_space<hbm>>
    %dma_wait3A_264 = arith.constant 384 : i32
    %dma_wait3A_265 = arith.constant 0 : i32
    %dma_wait3A_266 = tpu.memref_slice %arg6[%dma_wait3A_255, %dma_wait3A_264, %dma_wait3A_265] : memref<2x512x64xf32, #tpu.memory_space<vmem>> -> memref<1x128x64xf32, #tpu.memory_space<vmem>>
    %dma_wait3A_267 = tpu.memref_squeeze %dma_wait3A_266 : memref<1x128x64xf32, #tpu.memory_space<vmem>> -> memref<128x64xf32, #tpu.memory_space<vmem>>
    tpu.wait_dma2 semaphore(%arg10 : memref<!tpu.dma_semaphore, #tpu.memory_space<semaphore_mem>>) src(%dma_wait3A_267 : memref<128x64xf32, #tpu.memory_space<vmem>>) dst(%dma_wait3A_263 : memref<128x64xf32, #tpu.memory_space<hbm>>)
    return
  }
}

</mosaic_0001>

<sc_bundles>
// kernel: kernel.3.cloned.1.call-start
scs
__scs_entry_jumppad:
0x0: {  	(pc) =	sbr.rel $0x88, $3  }
0x1: {  	(tag) =	ssettag $0x0;
	lr =	simm.s32 $0x1  }
0x2: {  	[smem:$0x3F9F] =	sst lr;
	_ =	strace $0xD0000000  }
0x3: {  	_ = 	snop  }
0x4: {  	_ = 	snop  }
0x5: {  	_ = 	snop  }
0x6: {  	_ = 	snop  }
0x7: {  	_ = 	snop  }
__scs_overlays_trampoline_lowered:
0x8: {  	[smem:$0x3FAE] =	sst s0  }
0x9: {  	[smem:$0x3FAF] =	sst s1  }
0xa: {  	[smem:$0x3FB0] =	sst s2  }
0xb: {  	[smem:$0x3FB1] =	sst s3  }
0xc: {  	[smem:$0x3FB2] =	sst s4  }
0xd: {  	[smem:$0x3FB3] =	sst s5  }
0xe: {  	[smem:$0x3FB4] =	sst s6  }
0xf: {  	[smem:$0x3FB5] =	sst s7  }
0x10: {  	[smem:$0x3FB6] =	sst s8  }
0x11: {  	[smem:$0x3FB7] =	sst s9;
	s0 =	simm.s32 @!p0 $0x0  }
0x12: {  	s1 =	sld [smem:$0x3F9D];
	s0 =	simm.s32 @p0 $0x1  }
0x13: {  	[smem:$0x3FB8] =	sst s0;
	s0 =	simm.s32 @!p1 $0x0  }
0x14: {  	s2 =	sld [smem:$0x3F9C];
	s0 =	simm.s32 @p1 $0x1  }
0x15: {  	[smem:$0x3FB9] =	sst s0;
	s0 =	simm.s32 @!p2 $0x0  }
0x16: {  	s3 =	sld [smem:$0x3FDB];
	s0 =	simm.s32 @p2 $0x1  }
0x17: {  	s4 =	simm.s32 $0x1BF5;
	[smem:$0x3FBB] =	sst s0  }
0x18: {  	s0 =	sld [smem:$0x3F9E];
	_ =	swait.ge [sflag:s4], $0x0  }
0x19: {  	s7 =	sld [smem:$0x3F9F]  }
0x1a: {  	s8 =	sadd.s32 $0xFFFFE003, lr  }
0x1b: {  	s9 =	sadd.s32 $0xFFFFFEF7, lr;
	s5 =	simm.s32 $0xFFFFFFFF;
	p2 =	slt.u32 s8, $0xFFFFF086  }
0x1c: {  	p1 =	slt.u32 s9, $0xF7A;
	s5 =	simm.s32 @!p2 $0x0  }
0x1d: {  	s5 =	simm.s32 @p1 $0x1;
	p0 =	seq.s32 s7, s2  }
0x1e: {  	s7 =	smul.u32 @!p0 $0xF7A, s2;
	p2 =	seq.s32 @!p0 s5, $0x0  }
0x1f: {  	s9 =	smul.u32 $0xF7A, s1;
	s8 =	simm.s32 @!p0 $0x1BF5;
	p2 =	por !p2, p0  }
0x20: {  	[sflag:s8] =	ssyncset.s32 @!p0 $0xFFFFF086;
	s6 =	sadd.s32 @!p0 s3, s7;
	s7 =	simm.s32 @!p0 $0x108  }
0x21: {  	s3 =	sadd.s32 s3, s9;
	s6 =	sadd.s32 @!p0 $0x88, s6;
	s7 =	simm.s32 @p2 $0x1082  }
0x22: {  	[simem:s7], [sflag:s8] =	dma.local @!p0 [hbm:s6], $0xF7A  }
0x23: {  	s9 =	sor.u32 $0xD0000000, s2;
	s6 =	simm.s32 $0x108;
	_ =	swait.ge @!p0 [sflag:s8], $0x0  }
0x24: {  	s3 =	sadd.s32 $0x88, s3;
	s6 =	simm.s32 @!p1 $0x1082;
	[sflag:s4] =	ssyncset.s32 $0xFFFFF086  }
0x25: {  	[simem:s6], [sflag:s4] =	dma.local [hbm:s3], $0xF7A  }
0x26: {  	[smem:$0x3F9F] =	sst s1;
	(tag) =	ssettag s2;
	_ =	strace s9  }
0x27: {  	s1 =	sld [smem:$0x3FAF]  }
0x28: {  	s2 =	sld [smem:$0x3FB0]  }
0x29: {  	s4 =	sld [smem:$0x3FB2]  }
0x2a: {  	p0 =	seq.s32 s5, $0x0;
	s5 =	sld [smem:$0x3FB3]  }
0x2b: {  	s6 =	sld [smem:$0x3FB4]  }
0x2c: {  	s7 =	sld [smem:$0x3FB5]  }
0x2d: {  	s3 =	simm.s32 $0x108;
	s8 =	sld [smem:$0x3FB6]  }
0x2e: {  	s3 =	simm.s32 @!p0 $0x1082;
	s9 =	sld [smem:$0x3FB7]  }
0x2f: {  	lr =	sadd.s32 s0, s3;
	s0 =	sld [smem:$0x3FAE]  }
0x30: {  	s3 =	sld [smem:$0x3FB1]  }
0x31: {  	[smem:$0x3FBA] =	sst s10  }
0x32: {  	s10 =	sld [smem:$0x3FB8];
	_ =	sdelay $0x3  }
0x33: {  	p0 =	seq.s32 s10, $0x1;
	s10 =	sld [smem:$0x3FBA];
	_ =	sdelay $0x3  }
0x34: {  	[smem:$0x3FBA] =	sst s10  }
0x35: {  	s10 =	sld [smem:$0x3FB9];
	_ =	sdelay $0x3  }
0x36: {  	p1 =	seq.s32 s10, $0x1;
	s10 =	sld [smem:$0x3FBA];
	_ =	sdelay $0x3  }
0x37: {  	[smem:$0x3FBA] =	sst s10  }
0x38: {  	s10 =	sld [smem:$0x3FBB]  }
0x39: {  	_ = 	snop;
	(pc) =	sbr.ind lr, $3  }
0x3a: {  	_ = 	snop  }
0x3b: {  	_ = 	snop  }
0x3c: {  	p2 =	seq.s32 s10, $0x1;
	s10 =	sld [smem:$0x3FBA]  }
0x3d: {  	_ =	shalt  }
0x3e: {  	_ =	shalt  }
0x3f: {  	_ =	shalt  }
0x40: {  	_ =	shalt  }
0x41: {  	_ =	shalt  }
0x42: {  	_ =	shalt  }
0x43: {  	_ =	shalt  }
0x44: {  	_ =	shalt  }
0x45: {  	_ =	shalt  }
0x46: {  	_ =	shalt  }
0x47: {  	_ =	shalt  }
0x48: {  	_ =	shalt  }
0x49: {  	_ =	shalt  }
0x4a: {  	_ =	shalt  }
0x4b: {  	_ =	shalt  }
0x4c: {  	_ =	shalt  }
0x4d: {  	_ =	shalt  }
0x4e: {  	_ =	shalt  }
0x4f: {  	_ =	shalt  }
0x50: {  	_ =	shalt  }
0x51: {  	_ =	shalt  }
0x52: {  	_ =	shalt  }
0x53: {  	_ =	shalt  }
0x54: {  	_ =	shalt  }
0x55: {  	_ =	shalt  }
0x56: {  	_ =	shalt  }
0x57: {  	_ =	shalt  }
0x58: {  	_ =	shalt  }
0x59: {  	_ =	shalt  }
0x5a: {  	_ =	shalt  }
0x5b: {  	_ =	shalt  }
0x5c: {  	_ =	shalt  }
0x5d: {  	_ =	shalt  }
0x5e: {  	_ =	shalt  }
0x5f: {  	_ =	shalt  }
0x60: {  	_ =	shalt  }
0x61: {  	_ =	shalt  }
0x62: {  	_ =	shalt  }
0x63: {  	_ =	shalt  }
0x64: {  	_ =	shalt  }
0x65: {  	_ =	shalt  }
0x66: {  	_ =	shalt  }
0x67: {  	_ =	shalt  }
0x68: {  	_ =	shalt  }
0x69: {  	_ =	shalt  }
0x6a: {  	_ =	shalt  }
0x6b: {  	_ =	shalt  }
0x6c: {  	_ =	shalt  }
0x6d: {  	_ =	shalt  }
0x6e: {  	_ =	shalt  }
0x6f: {  	_ =	shalt  }
0x70: {  	_ =	shalt  }
0x71: {  	_ =	shalt  }
0x72: {  	_ =	shalt  }
0x73: {  	_ =	shalt  }
0x74: {  	_ =	shalt  }
0x75: {  	_ =	shalt  }
0x76: {  	_ =	shalt  }
0x77: {  	_ =	shalt  }
0x78: {  	_ =	shalt  }
0x79: {  	_ =	shalt  }
0x7a: {  	_ =	shalt  }
0x7b: {  	_ =	shalt  }
0x7c: {  	_ =	shalt  }
0x7d: {  	_ =	shalt  }
0x7e: {  	_ =	shalt  }
0x7f: {  	_ =	shalt  }
0x80: {  	_ =	shalt  }
0x81: {  	_ =	shalt  }
0x82: {  	_ =	shalt  }
0x83: {  	_ =	shalt  }
0x84: {  	_ =	shalt  }
0x85: {  	_ =	shalt  }
0x86: {  	_ =	shalt  }
0x87: {  	_ =	shalt  }
.Lfunc_end0:
.L_simem_size_0:
called_computation.1_lowered:
.L_overlay_start_0:
0x88: {  	s2 =	sld [smem:$0x3FD9]  }
0x89: {  	s3 =	sld [smem:$0x3FFE];
	_ =	sdelay $0x1  }
0x8a: {  	s1 =	srdreg.scid  }
0x8b: {  	s0 =	sand.u32 $0x1, s1  }
0x8c: {  	s17 =	sshll.u32 s0, $0xA;
	s2 =	sadd.s32 s3, s2  }
0x8d: {  	s2 =	sadd.s32 s2, s17  }
0x8e: {  	[smem:$0x3FC6] =	sst s2  }
0x8f: {  	_ = 	snop  }
0x90: {  	s2 =	sld [smem:$0x3FC9]  }
0x91: {  	s18 =	sld [smem:$0x3FD0];
	(tm) =	ssettm $0x1  }
0x92: {  	s4 =	sld [smem:$0x3FFB];
	_ =	sdelay $0x3  }
0x93: {  	_ =	strace s4  }
0x94: {  	s4 =	sld [smem:$0x3FFC];
	_ =	sdelay $0x3  }
0x95: {  	_ =	strace s4  }
0x96: {  	s4 =	sld [smem:$0x3FFD];
	_ =	sdelay $0x3  }
0x97: {  	_ =	strace s4  }
0x98: {  	_ =	strace $0x8FFFFFFF  }
0x99: {  	s19 =	sld [smem:$0x3FDB];
	_ =	sdelay $0x1  }
0x9a: {  	s5 =	simm.s32 $_scs_section_size  }
0x9b: {  	s6 =	simm.s32 $_size__tile_overlayer_lowered;
	s7 =	simm.s32 $_tile_overlayer_lowered  }
0x9c: {  	s22 =	simm.s32 $0x1BFF;
	s21 =	sshll.u32 s7, $0x1;
	s4 =	sadd.s32 s5, s19  }
0x9d: {  	s8 =	simm.s32 $0x0;
	s20 =	sshll.u32 s6, $0x1;
	s6 =	sadd.s32 s21, s4  }
0x9e: {  	[timem:s8], [sflag:s22] =	dma.local [hbm:s6], s20  }
0x9f: {  	_ =	swait.ge [sflag:s22], s20  }
0xa0: {  	s5 =	ssub.s32 $0x0, s20;
	[sflag:s22] =	ssyncset.done $0x0  }
0xa1: {  	[sflag:s22] =	ssyncadd.s32 s5;
	_ =	sdelay $0x1  }
0xa2: {  	s23 =	simm.s32 $0x1B8B  }
0xa3: {  	_ =	swait.ge [sflag:s23], $0x1  }
0xa4: {  	[sflag:s23] =	ssyncset.done $0x0  }
0xa5: {  	s25 =	simm.s32 $0x1B8E;
	s24 =	sld [smem:$0x3FFE];
	[sflag:s23] =	ssyncadd.s32 $0xFFFFFFFF  }
0xa6: {  	s26 =	simm.s32 $execute0_lowered;
	[smem:$0x3FD2] =	sst s25  }
0xa7: {  	s6 =	sshll.u32 s26, $0x1;
	_ =	strace $0x80000046;
	[dreg:$0x1] =	wrdreg $0xFFFFFFFF  }
0xa8: {  	s28 =	simm.s32 $_size_execute0_lowered;
	s4 =	sadd.s32 s4, s6;
	[dreg:$0x0] =	wrdreg $0x0  }
0xa9: {  	s6 =	sshll.u32 s28, $0x1;
	[dreg:$0x2] =	wrdreg s4  }
0xaa: {  	[dreg:$0x3] =	wrdreg s6  }
0xab: {  	[dreg:$0x4] =	wrdreg $0xC0  }
0xac: {  	_ =	task [dreg:s8], $0x5FFFF  }
0xad: {  	[dreg:$0x1] =	wrdreg $0xFFFFFFFF  }
0xae: {  	[dreg:$0x0] =	wrdreg $0x60  }
0xaf: {  	[dreg:$0x2] =	wrdreg s2  }
0xb0: {  	[dreg:$0x3] =	wrdreg s24  }
0xb1: {  	[dreg:$0x4] =	wrdreg s18  }
0xb2: {  	[dreg:$0x5] =	wrdreg $0x9  }
0xb3: {  	_ =	task.clear_ibuf [dreg:s8], $0x6FFFF;
	_ =	strace $0x90000046  }
0xb4: {  	s29 =	simm.s32 $0x9;
	_ =	strace $0x80000048  }
0xb5: {  	_ =	swait.ge [sflag:s29], $0x1  }
0xb6: {  	[sflag:s29] =	ssyncadd.s32 $0xFFFFFFFF  }
0xb7: {  	_ =	strace $0x90000048  }
0xb8: {  	_ =	sfence  }
0xb9: {  	s30 =	sld [smem:$0x0];
	_ =	sdelay $0x2  }
0xba: {  	s31 =	sshll.u32 s1, $0xD;
	s1 =	sshrl.u32 s1, $0x2  }
0xbb: {  	s3 =	sand.u32 $0x4000, s31;
	s1 =	sadd.s32 s1, s30  }
0xbc: {  	s0 =	sor.u32 s3, s0;
	s1 =	sshll.u32 s1, $0x11  }
0xbd: {  	s0 =	sor.u32 s1, s0  }
0xbe: {  	s0 =	sadd.s32 $0x8F2B, s0  }
0xbf: {  	[sflag:s0] =	ssyncadd.remote.s32 $0x1  }
0xc0: {  	_ =	sfence.sel $0xFFFF  }
0xc1: {  	[dreg:$0x0] =	wrdreg $0xFFFFFFFF;
	(pc) =	sbr.abs _section_cstart, $3  }
0xc2: {  	[dreg:$0x1] =	wrdreg $0xFFFFFFFF  }
0xc3: {  	_ =	task.clear_ibuf [dreg:s8], $0x2FFFF;
	_ =	strace $0x9FFFFFFF  }
0xc4: {  	(tm) =	ssettm $0x7FFFFFFF  }
0xc5: {  	_ =	shalt  }
tec
execute0_lowered:
.L_overlay_start_1:
0x0: {  	(tag) =	ssettag $0x1  }
0x1: {  	s0 =	rddreg [dreg:$0x0]  }
0x2: {  	s1 =	rddreg [dreg:$0x1]  }
0x3: {  	s3 =	srdreg.scid;
	s10 =	stileid.u32  }
0x4: {  	s2 =	rddreg [dreg:$0x2];
	s6 =	sand.u32 $0x1, s3;
	s4 =	sshll.u32 s10, $0x1  }
0x5: {  	s3 =	simm.s32 $0x0;
	s26 =	smul.u32 $0x320000, s10;
	s7 =	sor.u32 s6, s4  }
0x6: {  	[smem:$0x7FF] =	sst s3;
	s8 =	ssub.s32 $0x2, s6;
	s6 =	smul.u32 $0x190000, s6  }
0x7: {  	s13 =	simm.s32 $0x200;
	s4 =	sshll.u32 s7, $0x7;
	_ =	strace $0x80000047  }
0x8: {  	[dreg:$0x5] =	wrdreg s13;
	s4 =	sadd.s32 s0, s4;
	s10 =	sadd.s32 s6, s26  }
0x9: {  	s15 =	sadd.s32 $0x1000, s4;
	[dreg:$0x4] =	wrdreg s10  }
0xa: {  	s16 =	sadd.s32 $0x2000, s4;
	[dreg:$0xd] =	wrdreg s15  }
0xb: {  	s17 =	sadd.s32 $0x3000, s4;
	[dreg:$0xe] =	wrdreg s16  }
0xc: {  	s18 =	sadd.s32 $0x4000, s4;
	[dreg:$0xf] =	wrdreg s17  }
0xd: {  	s19 =	sadd.s32 $0x5000, s4;
	[dreg:$0x10] =	wrdreg s18  }
0xe: {  	s20 =	sadd.s32 $0x6000, s4;
	[dreg:$0x11] =	wrdreg s19  }
0xf: {  	s21 =	sadd.s32 $0x7000, s4;
	[dreg:$0x12] =	wrdreg s20  }
0x10: {  	s22 =	sadd.s32 $0x8000, s4;
	[dreg:$0x13] =	wrdreg s21  }
0x11: {  	s12 =	smul.u32 $0x190000, s7;
	s23 =	sadd.s32 $0x9000, s4;
	[dreg:$0x14] =	wrdreg s22  }
0x12: {  	s24 =	sadd.s32 $0xA000, s4;
	[dreg:$0x15] =	wrdreg s23  }
0x13: {  	s25 =	sor.u32 $0x40, s12;
	[dreg:$0x16] =	wrdreg s24  }
0x14: {  	s29 =	sadd.s32 $0xB000, s4;
	[dreg:$0x7] =	wrdreg s25  }
0x15: {  	s28 =	sor.u32 $0x80, s12;
	[dreg:$0x17] =	wrdreg s29  }
0x16: {  	s31 =	sadd.s32 $0xC000, s4;
	[dreg:$0x9] =	wrdreg s28  }
0x17: {  	s9 =	sshrl.u32 s8, $0x1;
	s30 =	sor.u32 $0xC0, s12;
	[dreg:$0x18] =	wrdreg s31  }
0x18: {  	s0 =	ssub.s32 s8, s9;
	s11 =	sadd.s32 $0xD000, s4;
	[dreg:$0xb] =	wrdreg s30  }
0x19: {  	s0 =	smax.u32 s0, $0x1;
	[dreg:$0x19] =	wrdreg s11  }
0x1a: {  	s26 =	sadd.s32 $0x11000, s4;
	[dreg:$0x1f] =	wrdreg s0  }
0x1b: {  	s14 =	smul.u32 $0x32000, s7;
	s16 =	sadd.s32 $0xE000, s4;
	[smem:$0x7F9] =	sst s26  }
0x1c: {  	s15 =	simm.s32 $0x6400;
	[dreg:$0x1a] =	wrdreg s16  }
0x1d: {  	s6 =	sadd.s32 s14, s2;
	s17 =	simm.s32 $0x8400;
	[dreg:$0x6] =	wrdreg s15  }
0x1e: {  	s19 =	sadd.s32 $0x620, s6;
	[dreg:$0x8] =	wrdreg s17  }
0x1f: {  	s18 =	simm.s32 $0xA400;
	[dreg:$0x1b] =	wrdreg s19  }
0x20: {  	s21 =	sadd.s32 $0x628, s6;
	[dreg:$0xa] =	wrdreg s18  }
0x21: {  	s20 =	simm.s32 $0xC400;
	[dreg:$0x1c] =	wrdreg s21  }
0x22: {  	s5 =	sadd.s32 $0xF42C00, s1;
	s22 =	sadd.s32 $0x630, s6;
	[dreg:$0xc] =	wrdreg s20  }
0x23: {  	s13 =	simm.s32 $0x40;
	s23 =	sadd.s32 $0x638, s6;
	[dreg:$0x1d] =	wrdreg s22  }
0x24: {  	s9 =	simm.s32 $0x5;
	s24 =	sadd.s32 $0xF000, s4;
	[dreg:$0x1e] =	wrdreg s23  }
0x25: {  	s7 =	sadd.s32 $0x17000, s4;
	s25 =	sadd.s32 $0x10000, s4;
	[smem:$0x7F7] =	sst s24  }
0x26: {  	s8 =	sadd.s32 $0x18000, s4;
	s28 =	sadd.s32 $0x12000, s4;
	[smem:$0x7F8] =	sst s25  }
0x27: {  	s10 =	simm.s32 $0xE400;
	s29 =	sadd.s32 $0x13000, s4;
	[smem:$0x7FA] =	sst s28  }
0x28: {  	s14 =	simm.s32 $0x3200;
	s30 =	sadd.s32 $0x14000, s4;
	[smem:$0x7FB] =	sst s29  }
0x29: {  	s31 =	sadd.s32 $0x15000, s4;
	s6 =	sadd.s32 $0x16000, s4;
	[smem:$0x7FC] =	sst s30  }
0x2a: {  	s11 =	simm.s32 $0x1;
	[smem:$0x7FD] =	sst s31;
	s15 =	simm.s32 $0x2  }
0x2b: {  	s16 =	simm.s32 $0x3;
	s17 =	simm.s32 $0x4;
	s18 =	simm.s32 $0x0  }
.LBB2_1:
0x2c: {  	[tilespmem:s3], [sflag:$0x5] =	stream.linear.gather [hbm4b:s4+s3], $0x400, $0x38;
	[tilespmem:$0x16400] =	vst v63  }
0x2d: {  	_ =	swait.ge [sflag:s9], $0x400  }
0x2e: {  	[sflag:s9] =	ssyncset.done $0x0  }
0x2f: {  	s1 =	simm.s32 $0x400;
	s0 =	rddreg [dreg:$0xd];
	[sflag:s9] =	ssyncadd.s32 $0xFFFFFC00  }
0x30: {  	[tilespmem:s1], [sflag:$0x5] =	stream.linear.gather [hbm4b:s0+s3], $0x400, $0x38;
	[tilespmem:$0x16400] =	vst v63  }
0x31: {  	_ =	swait.ge [sflag:s9], $0x400  }
0x32: {  	[sflag:s9] =	ssyncset.done $0x0  }
0x33: {  	s25 =	simm.s32 $0x800;
	s24 =	rddreg [dreg:$0xe];
	[sflag:s9] =	ssyncadd.s32 $0xFFFFFC00  }
0x34: {  	[tilespmem:s25], [sflag:$0x5] =	stream.linear.gather [hbm4b:s24+s3], $0x400, $0x38;
	[tilespmem:$0x16400] =	vst v63  }
0x35: {  	_ =	swait.ge [sflag:s9], $0x400  }
0x36: {  	[sflag:s9] =	ssyncset.done $0x0  }
0x37: {  	s31 =	simm.s32 $0xC00;
	s26 =	rddreg [dreg:$0xf];
	[sflag:s9] =	ssyncadd.s32 $0xFFFFFC00  }
0x38: {  	[tilespmem:s31], [sflag:$0x5] =	stream.linear.gather [hbm4b:s26+s3], $0x400, $0x38;
	[tilespmem:$0x16400] =	vst v63  }
0x39: {  	_ =	swait.ge [sflag:s9], $0x400  }
0x3a: {  	[sflag:s9] =	ssyncset.done $0x0  }
0x3b: {  	s19 =	simm.s32 $0x1000;
	s1 =	rddreg [dreg:$0x10];
	[sflag:s9] =	ssyncadd.s32 $0xFFFFFC00  }
0x3c: {  	[tilespmem:s19], [sflag:$0x5] =	stream.linear.gather [hbm4b:s1+s3], $0x400, $0x38;
	[tilespmem:$0x16400] =	vst v63  }
0x3d: {  	_ =	swait.ge [sflag:s9], $0x400  }
0x3e: {  	[sflag:s9] =	ssyncset.done $0x0  }
0x3f: {  	s21 =	simm.s32 $0x1400;
	s20 =	rddreg [dreg:$0x11];
	[sflag:s9] =	ssyncadd.s32 $0xFFFFFC00  }
0x40: {  	[tilespmem:s21], [sflag:$0x5] =	stream.linear.gather [hbm4b:s20+s3], $0x400, $0x38;
	[tilespmem:$0x16400] =	vst v63  }
0x41: {  	_ =	swait.ge [sflag:s9], $0x400  }
0x42: {  	[sflag:s9] =	ssyncset.done $0x0  }
0x43: {  	s23 =	simm.s32 $0x1800;
	s22 =	rddreg [dreg:$0x12];
	[sflag:s9] =	ssyncadd.s32 $0xFFFFFC00  }
0x44: {  	[tilespmem:s23], [sflag:$0x5] =	stream.linear.gather [hbm4b:s22+s3], $0x400, $0x38;
	[tilespmem:$0x16400] =	vst v63  }
0x45: {  	_ =	swait.ge [sflag:s9], $0x400  }
0x46: {  	[sflag:s9] =	ssyncset.done $0x0  }
0x47: {  	s25 =	simm.s32 $0x1C00;
	s24 =	rddreg [dreg:$0x13];
	[sflag:s9] =	ssyncadd.s32 $0xFFFFFC00  }
0x48: {  	[tilespmem:s25], [sflag:$0x5] =	stream.linear.gather [hbm4b:s24+s3], $0x400, $0x38;
	[tilespmem:$0x16400] =	vst v63  }
0x49: {  	_ =	swait.ge [sflag:s9], $0x400  }
0x4a: {  	[sflag:s9] =	ssyncset.done $0x0  }
0x4b: {  	s31 =	simm.s32 $0x2000;
	s26 =	rddreg [dreg:$0x14];
	[sflag:s9] =	ssyncadd.s32 $0xFFFFFC00  }
0x4c: {  	[tilespmem:s31], [sflag:$0x5] =	stream.linear.gather [hbm4b:s26+s3], $0x400, $0x38;
	[tilespmem:$0x16400] =	vst v63  }
0x4d: {  	_ =	swait.ge [sflag:s9], $0x400  }
0x4e: {  	[sflag:s9] =	ssyncset.done $0x0  }
0x4f: {  	s19 =	simm.s32 $0x2400;
	s1 =	rddreg [dreg:$0x15];
	[sflag:s9] =	ssyncadd.s32 $0xFFFFFC00  }
0x50: {  	[tilespmem:s19], [sflag:$0x5] =	stream.linear.gather [hbm4b:s1+s3], $0x400, $0x38;
	[tilespmem:$0x16400] =	vst v63  }
0x51: {  	_ =	swait.ge [sflag:s9], $0x400  }
0x52: {  	[sflag:s9] =	ssyncset.done $0x0  }
0x53: {  	s21 =	simm.s32 $0x2800;
	s20 =	rddreg [dreg:$0x16];
	[sflag:s9] =	ssyncadd.s32 $0xFFFFFC00  }
0x54: {  	[tilespmem:s21], [sflag:$0x5] =	stream.linear.gather [hbm4b:s20+s3], $0x400, $0x38;
	[tilespmem:$0x16400] =	vst v63  }
0x55: {  	_ =	swait.ge [sflag:s9], $0x400  }
0x56: {  	[sflag:s9] =	ssyncset.done $0x0  }
0x57: {  	s23 =	simm.s32 $0x2C00;
	s22 =	rddreg [dreg:$0x17];
	[sflag:s9] =	ssyncadd.s32 $0xFFFFFC00  }
0x58: {  	[tilespmem:s23], [sflag:$0x5] =	stream.linear.gather [hbm4b:s22+s3], $0x400, $0x38;
	[tilespmem:$0x16400] =	vst v63  }
0x59: {  	_ =	swait.ge [sflag:s9], $0x400  }
0x5a: {  	[sflag:s9] =	ssyncset.done $0x0  }
0x5b: {  	s25 =	simm.s32 $0x3000;
	s24 =	rddreg [dreg:$0x18];
	[sflag:s9] =	ssyncadd.s32 $0xFFFFFC00  }
0x5c: {  	[tilespmem:s25], [sflag:$0x5] =	stream.linear.gather [hbm4b:s24+s3], $0x400, $0x38;
	[tilespmem:$0x16400] =	vst v63  }
0x5d: {  	_ =	swait.ge [sflag:s9], $0x400  }
0x5e: {  	[sflag:s9] =	ssyncset.done $0x0  }
0x5f: {  	s31 =	simm.s32 $0x3400;
	s26 =	rddreg [dreg:$0x19];
	[sflag:s9] =	ssyncadd.s32 $0xFFFFFC00  }
0x60: {  	[tilespmem:s31], [sflag:$0x5] =	stream.linear.gather [hbm4b:s26+s3], $0x400, $0x38;
	[tilespmem:$0x16400] =	vst v63  }
0x61: {  	_ =	swait.ge [sflag:s9], $0x400  }
0x62: {  	[sflag:s9] =	ssyncset.done $0x0  }
0x63: {  	s19 =	simm.s32 $0x3800;
	s1 =	rddreg [dreg:$0x1a];
	[sflag:s9] =	ssyncadd.s32 $0xFFFFFC00  }
0x64: {  	[tilespmem:s19], [sflag:$0x5] =	stream.linear.gather [hbm4b:s1+s3], $0x400, $0x38;
	[tilespmem:$0x16400] =	vst v63  }
0x65: {  	_ =	swait.ge [sflag:s9], $0x400  }
0x66: {  	s20 =	sld [smem:$0x7F7]  }
0x67: {  	[sflag:s9] =	ssyncset.done $0x0  }
0x68: {  	s21 =	simm.s32 $0x3C00;
	[sflag:s9] =	ssyncadd.s32 $0xFFFFFC00  }
0x69: {  	[tilespmem:s21], [sflag:$0x5] =	stream.linear.gather [hbm4b:s20+s3], $0x400, $0x38;
	[tilespmem:$0x16400] =	vst v63  }
0x6a: {  	_ =	swait.ge [sflag:s9], $0x400  }
0x6b: {  	s22 =	sld [smem:$0x7F8]  }
0x6c: {  	[sflag:s9] =	ssyncset.done $0x0  }
0x6d: {  	s23 =	simm.s32 $0x4000;
	[sflag:s9] =	ssyncadd.s32 $0xFFFFFC00  }
0x6e: {  	[tilespmem:s23], [sflag:$0x5] =	stream.linear.gather [hbm4b:s22+s3], $0x400, $0x38;
	[tilespmem:$0x16400] =	vst v63  }
0x6f: {  	_ =	swait.ge [sflag:s9], $0x400  }
0x70: {  	s24 =	sld [smem:$0x7F9]  }
0x71: {  	[sflag:s9] =	ssyncset.done $0x0  }
0x72: {  	s25 =	simm.s32 $0x4400;
	[sflag:s9] =	ssyncadd.s32 $0xFFFFFC00  }
0x73: {  	[tilespmem:s25], [sflag:$0x5] =	stream.linear.gather [hbm4b:s24+s3], $0x400, $0x38;
	[tilespmem:$0x16400] =	vst v63  }
0x74: {  	_ =	swait.ge [sflag:s9], $0x400  }
0x75: {  	s26 =	sld [smem:$0x7FA]  }
0x76: {  	[sflag:s9] =	ssyncset.done $0x0  }
0x77: {  	s31 =	simm.s32 $0x4800;
	[sflag:s9] =	ssyncadd.s32 $0xFFFFFC00  }
0x78: {  	[tilespmem:s31], [sflag:$0x5] =	stream.linear.gather [hbm4b:s26+s3], $0x400, $0x38;
	[tilespmem:$0x16400] =	vst v63  }
0x79: {  	_ =	swait.ge [sflag:s9], $0x400  }
0x7a: {  	s1 =	sld [smem:$0x7FB]  }
0x7b: {  	[sflag:s9] =	ssyncset.done $0x0  }
0x7c: {  	s19 =	simm.s32 $0x4C00;
	[sflag:s9] =	ssyncadd.s32 $0xFFFFFC00  }
0x7d: {  	[tilespmem:s19], [sflag:$0x5] =	stream.linear.gather [hbm4b:s1+s3], $0x400, $0x38;
	[tilespmem:$0x16400] =	vst v63  }
0x7e: {  	_ =	swait.ge [sflag:s9], $0x400  }
0x7f: {  	s20 =	sld [smem:$0x7FC]  }
0x80: {  	[sflag:s9] =	ssyncset.done $0x0  }
0x81: {  	s21 =	simm.s32 $0x5000;
	[sflag:s9] =	ssyncadd.s32 $0xFFFFFC00  }
0x82: {  	[tilespmem:s21], [sflag:$0x5] =	stream.linear.gather [hbm4b:s20+s3], $0x400, $0x38;
	[tilespmem:$0x16400] =	vst v63  }
0x83: {  	_ =	swait.ge [sflag:s9], $0x400  }
0x84: {  	s22 =	sld [smem:$0x7FD]  }
0x85: {  	[sflag:s9] =	ssyncset.done $0x0  }
0x86: {  	s23 =	simm.s32 $0x5400;
	[sflag:s9] =	ssyncadd.s32 $0xFFFFFC00  }
0x87: {  	[tilespmem:s23], [sflag:$0x5] =	stream.linear.gather [hbm4b:s22+s3], $0x400, $0x38;
	[tilespmem:$0x16400] =	vst v63  }
0x88: {  	_ =	swait.ge [sflag:s9], $0x400  }
0x89: {  	[sflag:s9] =	ssyncset.done $0x0  }
0x8a: {  	s24 =	simm.s32 $0x5800;
	[sflag:s9] =	ssyncadd.s32 $0xFFFFFC00  }
0x8b: {  	[tilespmem:s24], [sflag:$0x5] =	stream.linear.gather [hbm4b:s6+s3], $0x400, $0x38;
	[tilespmem:$0x16400] =	vst v63  }
0x8c: {  	_ =	swait.ge [sflag:s9], $0x400  }
0x8d: {  	[sflag:s9] =	ssyncset.done $0x0  }
0x8e: {  	s25 =	simm.s32 $0x5C00;
	[sflag:s9] =	ssyncadd.s32 $0xFFFFFC00  }
0x8f: {  	[tilespmem:s25], [sflag:$0x5] =	stream.linear.gather [hbm4b:s7+s3], $0x400, $0x38;
	[tilespmem:$0x16400] =	vst v63  }
0x90: {  	_ =	swait.ge [sflag:s9], $0x400  }
0x91: {  	[sflag:s9] =	ssyncset.done $0x0  }
0x92: {  	s26 =	simm.s32 $0x6000;
	[sflag:s9] =	ssyncadd.s32 $0xFFFFFC00  }
0x93: {  	[tilespmem:s26], [sflag:$0x5] =	stream.linear.gather [hbm4b:s8+s3], $0x400, $0x38;
	[tilespmem:$0x16400] =	vst v63  }
0x94: {  	p1 =	por $0x0, $0x0;
	_ =	swait.ge [sflag:s9], $0x400  }
0x95: {  	p0 =	por p1, p1;
	[sflag:s9] =	ssyncset.done $0x0  }
0x96: {  	s19 =	simm.s32 @p0 $0x3;
	[sflag:s9] =	ssyncadd.s32 $0xFFFFFC00  }
0x97: {  	_ =	swait.ge @p0 [sflag:s19], $0x2000  }
0x98: {  	[sflag:s19] =	ssyncset.done @p0 $0x0  }
0x99: {  	[sflag:s19] =	ssyncadd.s32 @p0 $0xFFFFE000  }
0x9a: {  	_ =	swait.ge @p0 [sflag:s19], $0x2000  }
0x9b: {  	[sflag:s19] =	ssyncset.done @p0 $0x0  }
0x9c: {  	[sflag:s19] =	ssyncadd.s32 @p0 $0xFFFFE000  }
0x9d: {  	_ =	swait.ge @p0 [sflag:s19], $0x2000  }
0x9e: {  	[sflag:s19] =	ssyncset.done @p0 $0x0  }
0x9f: {  	[sflag:s19] =	ssyncadd.s32 @p0 $0xFFFFE000  }
0xa0: {  	_ =	swait.ge @p0 [sflag:s19], $0x2000  }
0xa1: {  	s20 =	simm.s32 @p0 $0x6400;
	s21 =	simm.s32 @p0 $0x2;
	[sflag:s19] =	ssyncset.done @p0 $0x0  }
0xa2: {  	s22 =	simm.s32 @p0 $0x0;
	s23 =	simm.s32 @p0 $0x200;
	[sflag:s19] =	ssyncadd.s32 @p0 $0xFFFFE000  }
0xa3: {  	[tilespmem:s20], [sflag:$0x1] =	stream.indirect.gather @p0 [hbm4b:s5+s23], $0x40, s22, s23, $0xb8;
	[tilespmem:$0x16400] =	vst v63  }
0xa4: {  	_ =	swait.ge @p0 [sflag:s21], $0x8000  }
0xa5: {  	s20 =	simm.s32 @p0 $0xE400;
	s19 =	rddreg [dreg:$0x4]  }
0xa6: {  	s22 =	simm.s32 @p0 $0x40;
	[sflag:s21] =	ssyncset.done @p0 $0x0;
	s19 =	sadd.s32 @p0 $0x0, s19  }
0xa7: {  	s23 =	simm.s32 @p0 $0x3200;
	[sflag:s21] =	ssyncadd.s32 @p0 $0xFFFF8000;
	s21 =	sadd.s32 @p0 $0xFFFFFF00, s19  }
0xa8: {  	s24 =	sadd.s32 @p0 $0xFFFFFF40, s19;
	s25 =	sadd.s32 @p0 $0xFFFFFF80, s19;
	s21 =	sshrl.u32 @p0 s21, $0x3  }
0xa9: {  	s19 =	sadd.s32 @p0 $0xFFFFFFC0, s19;
	s24 =	sshrl.u32 @p0 s24, $0x3;
	s21 =	sadd.s32 @p0 s2, s21  }
0xaa: {  	[hbm4b:s21+s22] =	stream.strided.scatter @p0 [tilespmem:s20], [sflag:$0x4], $0x2000, s23, s22, $0x38;
	[tilespmem:$0x16400] =	vst v63  }
0xab: {  	s25 =	sshrl.u32 @p0 s25, $0x3;
	s20 =	sadd.s32 @p0 s2, s24;
	s21 =	simm.s32 @p0 $0x10400  }
0xac: {  	[hbm4b:s20+s22] =	stream.strided.scatter @p0 [tilespmem:s21], [sflag:$0x4], $0x2000, s23, s22, $0x38;
	[tilespmem:$0x16400] =	vst v63  }
0xad: {  	s19 =	sshrl.u32 @p0 s19, $0x3;
	s20 =	sadd.s32 @p0 s2, s25;
	s21 =	simm.s32 @p0 $0x12400  }
0xae: {  	[hbm4b:s20+s22] =	stream.strided.scatter @p0 [tilespmem:s21], [sflag:$0x4], $0x2000, s23, s22, $0x38;
	[tilespmem:$0x16400] =	vst v63  }
0xaf: {  	s19 =	sadd.s32 @p0 s2, s19;
	s24 =	simm.s32 @p0 $0x4;
	s20 =	simm.s32 @p0 $0x14400  }
0xb0: {  	[hbm4b:s19+s22] =	stream.strided.scatter @p0 [tilespmem:s20], [sflag:$0x4], $0x2000, s23, s22, $0x38;
	[tilespmem:$0x16400] =	vst v63  }
0xb1: {  	_ =	swait.ge @p0 [sflag:s24], $0x2000  }
0xb2: {  	[sflag:s24] =	ssyncset.done @p0 $0x0  }
0xb3: {  	[sflag:s24] =	ssyncadd.s32 @p0 $0xFFFFE000  }
0xb4: {  	_ =	swait.ge @p0 [sflag:s24], $0x2000  }
0xb5: {  	[sflag:s24] =	ssyncset.done @p0 $0x0  }
0xb6: {  	[sflag:s24] =	ssyncadd.s32 @p0 $0xFFFFE000  }
0xb7: {  	s28 =	simm.s32 $0x0;
	_ =	swait.ge @p0 [sflag:s24], $0x2000  }
0xb8: {  	s28 =	simm.s32 @!p0 $0x0;
	[sflag:s24] =	ssyncset.done @p0 $0x0  }
0xb9: {  	s31 =	sor.u32 s12, s28;
	[sflag:s24] =	ssyncadd.s32 @p0 $0xFFFFE000  }
0xba: {  	s25 =	simm.s32 @!p0 $0x200;
	s20 =	simm.s32 $0x0;
	_ =	swait.ge @p0 [sflag:s24], $0x2000  }
0xbb: {  	s22 =	simm.s32 @!p0 $0x0;
	s20 =	simm.s32 @!p1 $0x0;
	[sflag:s24] =	ssyncset.done @p0 $0x0  }
0xbc: {  	s23 =	simm.s32 @!p0 $0x6400;
	s20 =	sshra.s32 s20, $0x2;
	[sflag:s24] =	ssyncadd.s32 @p0 $0xFFFFE000  }
0xbd: {  	[tilespmem:s23], [sflag:$0x1] =	stream.indirect.gather @!p0 [hbm4b:s5+s25], $0x40, s22, s25, $0xb8;
	[tilespmem:$0x16400] =	vst v63  }
0xbe: {  	s21 =	simm.s32 $0x1000;
	s20 =	sadd.s32 $0x200, s20;
	s26 =	rddreg [dreg:$0x5]  }
0xbf: {  	[tilespmem:s10], [sflag:$0x2] =	stream.indirect.gather [hbm4b:s5+s26], $0x40, s20, s26, $0xb8;
	[tilespmem:$0x16400] =	vst v63  }
0xc0: {  	s19 =	simm.s32 $0x200;
	p1 =	por $0x1, $0x1;
	_ =	swait.ge [sflag:s11], $0x8000  }
0xc1: {  	s23 =	simm.s32 $0x1000;
	s22 =	simm.s32 $0x400;
	s0 =	rddreg [dreg:$0x9]  }
0xc2: {  	p0 =	por p1, p1;
	s23 =	simm.s32 @!p1 $0x0;
	s1 =	rddreg [dreg:$0x6]  }
0xc3: {  	s20 =	sshra.s32 s23, $0x2;
	s23 =	sshrl.u32 s31, $0x3;
	s29 =	rddreg [dreg:$0x7]  }
0xc4: {  	s26 =	simm.s32 @p0 $0x3;
	[sflag:s11] =	ssyncset.done $0x0;
	s30 =	rddreg [dreg:$0xb]  }
0xc5: {  	s23 =	sadd.s32 s2, s23;
	s24 =	rddreg [dreg:$0x8];
	[sflag:s11] =	ssyncadd.s32 $0xFFFF8000  }
0xc6: {  	s31 =	sor.u32 s0, s28;
	s29 =	sor.u32 s29, s28;
	s28 =	sor.u32 s30, s28  }
0xc7: {  	[hbm4b:s23+s13] =	stream.strided.scatter [tilespmem:s1], [sflag:$0x3], $0x2000, s14, s13, $0x38;
	[tilespmem:$0x16400] =	vst v63  }
0xc8: {  	s25 =	sshrl.u32 s31, $0x3;
	s23 =	simm.s32 $0x2000;
	s29 =	sshrl.u32 s29, $0x3  }
0xc9: {  	s28 =	sshrl.u32 s28, $0x3;
	s30 =	sadd.s32 s2, s29;
	s29 =	rddreg [dreg:$0xa]  }
.LBB2_2:
0xca: {  	[hbm4b:s30+s13] =	stream.strided.scatter [tilespmem:s24], [sflag:$0x3], $0x2000, s14, s13, $0x38;
	[tilespmem:$0x16400] =	vst v63  }
0xcb: {  	s25 =	sadd.s32 s2, s25  }
0xcc: {  	[hbm4b:s25+s13] =	stream.strided.scatter [tilespmem:s29], [sflag:$0x3], $0x2000, s14, s13, $0x38;
	[tilespmem:$0x16400] =	vst v63  }
0xcd: {  	s30 =	rddreg [dreg:$0xc];
	s28 =	sadd.s32 s2, s28  }
0xce: {  	[hbm4b:s28+s13] =	stream.strided.scatter [tilespmem:s30], [sflag:$0x3], $0x2000, s14, s13, $0x38;
	[tilespmem:$0x16400] =	vst v63  }
0xcf: {  	_ =	swait.ge @p0 [sflag:s26], $0x2000  }
0xd0: {  	[sflag:s26] =	ssyncset.done @p0 $0x0  }
0xd1: {  	[sflag:s26] =	ssyncadd.s32 @p0 $0xFFFFE000  }
0xd2: {  	_ =	swait.ge @p0 [sflag:s26], $0x2000  }
0xd3: {  	[sflag:s26] =	ssyncset.done @p0 $0x0  }
0xd4: {  	[sflag:s26] =	ssyncadd.s32 @p0 $0xFFFFE000  }
0xd5: {  	_ =	swait.ge @p0 [sflag:s26], $0x2000  }
0xd6: {  	[sflag:s26] =	ssyncset.done @p0 $0x0  }
0xd7: {  	[sflag:s26] =	ssyncadd.s32 @p0 $0xFFFFE000  }
0xd8: {  	_ =	swait.ge @p0 [sflag:s26], $0x2000  }
0xd9: {  	s31 =	simm.s32 @p0 $0x200;
	s29 =	simm.s32 @p0 $0x2;
	[sflag:s26] =	ssyncset.done @p0 $0x0  }
0xda: {  	s28 =	simm.s32 @p0 $0x6400;
	s30 =	sshra.s32 @p0 s21, $0x2;
	[sflag:s26] =	ssyncadd.s32 @p0 $0xFFFFE000  }
0xdb: {  	[tilespmem:s28], [sflag:$0x1] =	stream.indirect.gather @p0 [hbm4b:s5+s31], $0x40, s30, s31, $0xb8;
	[tilespmem:$0x16400] =	vst v63  }
0xdc: {  	_ =	swait.ge @p0 [sflag:s29], $0x8000  }
0xdd: {  	s26 =	simm.s32 @p0 $0xE400;
	s28 =	rddreg [dreg:$0x4]  }
0xde: {  	s30 =	simm.s32 @p0 $0x40;
	[sflag:s29] =	ssyncset.done @p0 $0x0;
	s28 =	sadd.s32 @p0 s19, s28  }
0xdf: {  	s31 =	simm.s32 @p0 $0x3200;
	[sflag:s29] =	ssyncadd.s32 @p0 $0xFFFF8000;
	s29 =	sadd.s32 @p0 $0xFFFFFF00, s28  }
0xe0: {  	s1 =	sadd.s32 @p0 $0xFFFFFF40, s28;
	s0 =	sadd.s32 @p0 $0xFFFFFF80, s28;
	s29 =	sshrl.u32 @p0 s29, $0x3  }
0xe1: {  	s28 =	sadd.s32 @p0 $0xFFFFFFC0, s28;
	s1 =	sshrl.u32 @p0 s1, $0x3;
	s29 =	sadd.s32 @p0 s2, s29  }
0xe2: {  	[hbm4b:s29+s30] =	stream.strided.scatter @p0 [tilespmem:s26], [sflag:$0x4], $0x2000, s31, s30, $0x38;
	[tilespmem:$0x16400] =	vst v63  }
0xe3: {  	s0 =	sshrl.u32 @p0 s0, $0x3;
	s1 =	sadd.s32 @p0 s2, s1;
	s26 =	simm.s32 @p0 $0x10400  }
0xe4: {  	[hbm4b:s1+s30] =	stream.strided.scatter @p0 [tilespmem:s26], [sflag:$0x4], $0x2000, s31, s30, $0x38;
	[tilespmem:$0x16400] =	vst v63  }
0xe5: {  	s0 =	sadd.s32 @p0 s2, s0;
	s1 =	simm.s32 @p0 $0x12400;
	s26 =	sshrl.u32 @p0 s28, $0x3  }
0xe6: {  	[hbm4b:s0+s30] =	stream.strided.scatter @p0 [tilespmem:s1], [sflag:$0x4], $0x2000, s31, s30, $0x38;
	[tilespmem:$0x16400] =	vst v63  }
0xe7: {  	s0 =	sadd.s32 @p0 s2, s26;
	s1 =	simm.s32 @p0 $0x14400;
	s26 =	simm.s32 @p0 $0x4  }
0xe8: {  	[hbm4b:s0+s30] =	stream.strided.scatter @p0 [tilespmem:s1], [sflag:$0x4], $0x2000, s31, s30, $0x38;
	[tilespmem:$0x16400] =	vst v63  }
0xe9: {  	_ =	swait.ge @p0 [sflag:s26], $0x2000  }
0xea: {  	[sflag:s26] =	ssyncset.done @p0 $0x0  }
0xeb: {  	[sflag:s26] =	ssyncadd.s32 @p0 $0xFFFFE000  }
0xec: {  	_ =	swait.ge @p0 [sflag:s26], $0x2000  }
0xed: {  	[sflag:s26] =	ssyncset.done @p0 $0x0  }
0xee: {  	[sflag:s26] =	ssyncadd.s32 @p0 $0xFFFFE000  }
0xef: {  	_ =	swait.ge @p0 [sflag:s26], $0x2000  }
0xf0: {  	s24 =	smov.u32 s22;
	p2 =	sne.s32 s22, $0x0;
	[sflag:s26] =	ssyncset.done @p0 $0x0  }
0xf1: {  	s22 =	sadd.s32 $0x200, s22;
	s25 =	smov.u32 s23;
	[sflag:s26] =	ssyncadd.s32 @p0 $0xFFFFE000  }
0xf2: {  	p1 =	sne.s32 s22, $0x3200;
	s25 =	simm.s32 @!p2 $0x0;
	_ =	swait.ge @p0 [sflag:s26], $0x2000  }
0xf3: {  	s25 =	sshra.s32 s25, $0x2;
	s28 =	simm.s32 @!p0 $0x200;
	[sflag:s26] =	ssyncset.done @p0 $0x0  }
0xf4: {  	s0 =	simm.s32 @!p0 $0x0;
	s1 =	simm.s32 @!p0 $0x6400;
	[sflag:s26] =	ssyncadd.s32 @p0 $0xFFFFE000  }
0xf5: {  	[tilespmem:s1], [sflag:$0x1] =	stream.indirect.gather @!p0 [hbm4b:s5+s28], $0x40, s0, s28, $0xb8;
	[tilespmem:$0x16400] =	vst v63  }
0xf6: {  	s21 =	smov.u32 s23;
	s29 =	rddreg [dreg:$0x5];
	s1 =	sadd.s32 $0x200, s20  }
0xf7: {  	[tilespmem:s10], [sflag:$0x2] =	stream.indirect.gather [hbm4b:s5+s29], $0x40, s1, s29, $0xb8;
	[tilespmem:$0x16400] =	vst v63  }
0xf8: {  	s23 =	sadd.s32 $0x1000, s23;
	s20 =	smov.u32 s25;
	_ =	swait.ge [sflag:s11], $0x8000  }
0xf9: {  	s0 =	smov.u32 s19;
	s19 =	smov.u32 s24;
	s25 =	rddreg [dreg:$0x9]  }
0xfa: {  	s0 =	simm.s32 @!p0 $0x0;
	p0 =	por p2, p2;
	s31 =	rddreg [dreg:$0x7]  }
0xfb: {  	s24 =	sor.u32 s12, s0;
	s26 =	simm.s32 @p0 $0x3;
	s28 =	rddreg [dreg:$0xb]  }
0xfc: {  	s1 =	sshrl.u32 s24, $0x3;
	[sflag:s11] =	ssyncset.done $0x0;
	s29 =	rddreg [dreg:$0x6]  }
.Ltmp0:
0xfd: {  	s1 =	sadd.s32 s2, s1;
	s24 =	rddreg [dreg:$0x8];
	(pc) =	sbr.rel @p1 .LBB2_2-.Ltmp0, $4  }
0xfe: {  	[sflag:s11] =	ssyncadd.s32 $0xFFFF8000;
	s30 =	sor.u32 s25, s0;
	s31 =	sor.u32 s31, s0  }
0xff: {  	s0 =	sor.u32 s28, s0;
	s25 =	sshrl.u32 s30, $0x3;
	s30 =	sshrl.u32 s31, $0x3  }
0x100: {  	[hbm4b:s1+s13] =	stream.strided.scatter [tilespmem:s29], [sflag:$0x3], $0x2000, s14, s13, $0x38;
	[tilespmem:$0x16400] =	vst v63  }
0x101: {  	s29 =	rddreg [dreg:$0xa];
	s28 =	sshrl.u32 s0, $0x3;
	s30 =	sadd.s32 s2, s30  }
0x102: {  	[hbm4b:s30+s13] =	stream.strided.scatter [tilespmem:s24], [sflag:$0x3], $0x2000, s14, s13, $0x38;
	[tilespmem:$0x16400] =	vst v63  }
0x103: {  	s0 =	sadd.s32 s2, s25  }
0x104: {  	[hbm4b:s0+s13] =	stream.strided.scatter [tilespmem:s29], [sflag:$0x3], $0x2000, s14, s13, $0x38;
	[tilespmem:$0x16400] =	vst v63  }
0x105: {  	s1 =	rddreg [dreg:$0xc];
	s30 =	sadd.s32 s2, s28  }
0x106: {  	[hbm4b:s30+s13] =	stream.strided.scatter [tilespmem:s1], [sflag:$0x3], $0x2000, s14, s13, $0x38;
	[tilespmem:$0x16400] =	vst v63  }
0x107: {  	_ =	swait.ge @p0 [sflag:s26], $0x2000  }
0x108: {  	[sflag:s26] =	ssyncset.done @p0 $0x0  }
0x109: {  	[sflag:s26] =	ssyncadd.s32 @p0 $0xFFFFE000  }
0x10a: {  	_ =	swait.ge @p0 [sflag:s26], $0x2000  }
0x10b: {  	[sflag:s26] =	ssyncset.done @p0 $0x0  }
0x10c: {  	[sflag:s26] =	ssyncadd.s32 @p0 $0xFFFFE000  }
0x10d: {  	_ =	swait.ge @p0 [sflag:s26], $0x2000  }
0x10e: {  	[sflag:s26] =	ssyncset.done @p0 $0x0  }
0x10f: {  	[sflag:s26] =	ssyncadd.s32 @p0 $0xFFFFE000  }
0x110: {  	_ =	swait.ge @p0 [sflag:s26], $0x2000  }
0x111: {  	s21 =	sshra.s32 @p0 s21, $0x2;
	s22 =	simm.s32 @p0 $0x200;
	[sflag:s26] =	ssyncset.done @p0 $0x0  }
0x112: {  	s0 =	simm.s32 @p0 $0x6400;
	s1 =	simm.s32 @p0 $0x2;
	[sflag:s26] =	ssyncadd.s32 @p0 $0xFFFFE000  }
0x113: {  	[tilespmem:s0], [sflag:$0x1] =	stream.indirect.gather @p0 [hbm4b:s5+s22], $0x40, s21, s22, $0xb8;
	[tilespmem:$0x16400] =	vst v63  }
0x114: {  	_ =	swait.ge @p0 [sflag:s1], $0x8000  }
0x115: {  	s0 =	rddreg [dreg:$0x4]  }
0x116: {  	s0 =	sadd.s32 @p0 s19, s0  }
0x117: {  	s23 =	simm.s32 @p0 $0x40;
	s22 =	sadd.s32 @p0 $0xFFFFFF00, s0  }
0x118: {  	s21 =	simm.s32 @p0 $0xE400;
	[sflag:s1] =	ssyncset.done @p0 $0x0;
	s22 =	sshrl.u32 @p0 s22, $0x3  }
0x119: {  	[sflag:s1] =	ssyncadd.s32 @p0 $0xFFFF8000;
	s1 =	simm.s32 @p0 $0x3200;
	s22 =	sadd.s32 @p0 s2, s22  }
0x11a: {  	[hbm4b:s22+s23] =	stream.strided.scatter @p0 [tilespmem:s21], [sflag:$0x4], $0x2000, s1, s23, $0x38;
	[tilespmem:$0x16400] =	vst v63  }
0x11b: {  	s21 =	sadd.s32 @p0 $0xFFFFFF40, s0  }
0x11c: {  	s21 =	sshrl.u32 @p0 s21, $0x3  }
0x11d: {  	s22 =	simm.s32 @p0 $0x10400;
	s21 =	sadd.s32 @p0 s2, s21  }
0x11e: {  	[hbm4b:s21+s23] =	stream.strided.scatter @p0 [tilespmem:s22], [sflag:$0x4], $0x2000, s1, s23, $0x38;
	[tilespmem:$0x16400] =	vst v63  }
0x11f: {  	s21 =	sadd.s32 @p0 $0xFFFFFF80, s0  }
0x120: {  	s0 =	sadd.s32 @p0 $0xFFFFFFC0, s0;
	s21 =	sshrl.u32 @p0 s21, $0x3  }
0x121: {  	s22 =	simm.s32 @p0 $0x12400;
	s0 =	sshrl.u32 @p0 s0, $0x3;
	s21 =	sadd.s32 @p0 s2, s21  }
0x122: {  	[hbm4b:s21+s23] =	stream.strided.scatter @p0 [tilespmem:s22], [sflag:$0x4], $0x2000, s1, s23, $0x38;
	[tilespmem:$0x16400] =	vst v63  }
0x123: {  	s0 =	sadd.s32 @p0 s2, s0;
	s21 =	simm.s32 @p0 $0x14400  }
0x124: {  	[hbm4b:s0+s23] =	stream.strided.scatter @p0 [tilespmem:s21], [sflag:$0x4], $0x2000, s1, s23, $0x38;
	[tilespmem:$0x16400] =	vst v63  }
0x125: {  	s0 =	simm.s32 @p0 $0x4  }
0x126: {  	_ =	swait.ge @p0 [sflag:s0], $0x2000  }
0x127: {  	[sflag:s0] =	ssyncset.done @p0 $0x0  }
0x128: {  	[sflag:s0] =	ssyncadd.s32 @p0 $0xFFFFE000  }
0x129: {  	_ =	swait.ge @p0 [sflag:s0], $0x2000  }
0x12a: {  	[sflag:s0] =	ssyncset.done @p0 $0x0  }
0x12b: {  	[sflag:s0] =	ssyncadd.s32 @p0 $0xFFFFE000  }
0x12c: {  	_ =	swait.ge @p0 [sflag:s0], $0x2000  }
0x12d: {  	[sflag:s0] =	ssyncset.done @p0 $0x0  }
0x12e: {  	[sflag:s0] =	ssyncadd.s32 @p0 $0xFFFFE000  }
0x12f: {  	_ =	swait.ge @p0 [sflag:s0], $0x2000  }
0x130: {  	s19 =	simm.s32 @!p0 $0x0;
	s22 =	simm.s32 @!p0 $0x200;
	[sflag:s0] =	ssyncset.done @p0 $0x0  }
0x131: {  	s1 =	simm.s32 @!p0 $0x0;
	s21 =	simm.s32 @!p0 $0x6400;
	[sflag:s0] =	ssyncadd.s32 @p0 $0xFFFFE000  }
0x132: {  	[tilespmem:s21], [sflag:$0x1] =	stream.indirect.gather @!p0 [hbm4b:s5+s22], $0x40, s1, s22, $0xb8;
	[tilespmem:$0x16400] =	vst v63  }
0x133: {  	s31 =	rddreg [dreg:$0x5];
	s21 =	sadd.s32 $0x200, s20;
	s22 =	sor.u32 s12, s19  }
0x134: {  	[tilespmem:s10], [sflag:$0x2] =	stream.indirect.gather [hbm4b:s5+s31], $0x40, s21, s31, $0xb8;
	[tilespmem:$0x16400] =	vst v63  }
0x135: {  	s0 =	sshrl.u32 s22, $0x3;
	_ =	swait.ge [sflag:s11], $0x8000  }
0x136: {  	s0 =	sadd.s32 s2, s0;
	[sflag:s11] =	ssyncset.done $0x0;
	s24 =	rddreg [dreg:$0x7]  }
0x137: {  	s23 =	rddreg [dreg:$0x6];
	[sflag:s11] =	ssyncadd.s32 $0xFFFF8000;
	s25 =	sor.u32 s24, s19  }
0x138: {  	[hbm4b:s0+s13] =	stream.strided.scatter [tilespmem:s23], [sflag:$0x3], $0x2000, s14, s13, $0x38;
	[tilespmem:$0x16400] =	vst v63  }
0x139: {  	s28 =	rddreg [dreg:$0x9];
	s0 =	sshrl.u32 s25, $0x3  }
0x13a: {  	s26 =	rddreg [dreg:$0x8];
	s29 =	sor.u32 s28, s19;
	s0 =	sadd.s32 s2, s0  }
0x13b: {  	[hbm4b:s0+s13] =	stream.strided.scatter [tilespmem:s26], [sflag:$0x3], $0x2000, s14, s13, $0x38;
	[tilespmem:$0x16400] =	vst v63  }
0x13c: {  	s31 =	rddreg [dreg:$0xb];
	s0 =	sshrl.u32 s29, $0x3  }
0x13d: {  	s30 =	rddreg [dreg:$0xa];
	s21 =	sor.u32 s31, s19;
	s0 =	sadd.s32 s2, s0  }
0x13e: {  	[hbm4b:s0+s13] =	stream.strided.scatter [tilespmem:s30], [sflag:$0x3], $0x2000, s14, s13, $0x38;
	[tilespmem:$0x16400] =	vst v63  }
0x13f: {  	s0 =	sshrl.u32 s21, $0x3  }
0x140: {  	s22 =	rddreg [dreg:$0xc];
	s0 =	sadd.s32 s2, s0  }
0x141: {  	[hbm4b:s0+s13] =	stream.strided.scatter [tilespmem:s22], [sflag:$0x3], $0x2000, s14, s13, $0x38;
	[tilespmem:$0x16400] =	vst v63  }
0x142: {  	_ =	swait.ge [sflag:s15], $0x8000  }
0x143: {  	[sflag:s15] =	ssyncset.done $0x0  }
0x144: {  	s23 =	rddreg [dreg:$0x1b];
	[sflag:s15] =	ssyncadd.s32 $0xFFFF8000  }
0x145: {  	[hbm4b:s23+s13] =	stream.strided.scatter [tilespmem:s10], [sflag:$0x4], $0x2000, s14, s13, $0x38;
	[tilespmem:$0x16400] =	vst v63  }
0x146: {  	s25 =	simm.s32 $0x10400;
	s24 =	rddreg [dreg:$0x1c]  }
0x147: {  	[hbm4b:s24+s13] =	stream.strided.scatter [tilespmem:s25], [sflag:$0x4], $0x2000, s14, s13, $0x38;
	[tilespmem:$0x16400] =	vst v63  }
0x148: {  	s28 =	simm.s32 $0x12400;
	s26 =	rddreg [dreg:$0x1d]  }
0x149: {  	[hbm4b:s26+s13] =	stream.strided.scatter [tilespmem:s28], [sflag:$0x4], $0x2000, s14, s13, $0x38;
	[tilespmem:$0x16400] =	vst v63  }
0x14a: {  	s30 =	simm.s32 $0x14400;
	s29 =	rddreg [dreg:$0x1e]  }
0x14b: {  	[hbm4b:s29+s13] =	stream.strided.scatter [tilespmem:s30], [sflag:$0x4], $0x2000, s14, s13, $0x38;
	[tilespmem:$0x16400] =	vst v63  }
0x14c: {  	_ =	swait.ge [sflag:s16], $0x2000  }
0x14d: {  	[sflag:s16] =	ssyncset.done $0x0  }
0x14e: {  	[sflag:s16] =	ssyncadd.s32 $0xFFFFE000  }
0x14f: {  	_ =	swait.ge [sflag:s16], $0x2000  }
0x150: {  	[sflag:s16] =	ssyncset.done $0x0  }
0x151: {  	[sflag:s16] =	ssyncadd.s32 $0xFFFFE000  }
0x152: {  	_ =	swait.ge [sflag:s16], $0x2000  }
0x153: {  	[sflag:s16] =	ssyncset.done $0x0  }
0x154: {  	[sflag:s16] =	ssyncadd.s32 $0xFFFFE000  }
0x155: {  	_ =	swait.ge [sflag:s16], $0x2000  }
0x156: {  	[sflag:s16] =	ssyncset.done $0x0  }
0x157: {  	[sflag:s16] =	ssyncadd.s32 $0xFFFFE000  }
0x158: {  	_ =	swait.ge [sflag:s17], $0x2000  }
0x159: {  	[sflag:s17] =	ssyncset.done $0x0  }
0x15a: {  	[sflag:s17] =	ssyncadd.s32 $0xFFFFE000  }
0x15b: {  	_ =	swait.ge [sflag:s17], $0x2000  }
0x15c: {  	[sflag:s17] =	ssyncset.done $0x0  }
0x15d: {  	[sflag:s17] =	ssyncadd.s32 $0xFFFFE000  }
0x15e: {  	_ =	swait.ge [sflag:s17], $0x2000  }
0x15f: {  	[sflag:s17] =	ssyncset.done $0x0  }
0x160: {  	[sflag:s17] =	ssyncadd.s32 $0xFFFFE000  }
0x161: {  	_ =	swait.ge [sflag:s17], $0x2000  }
0x162: {  	s18 =	sadd.s32 $0x1, s18;
	s31 =	rddreg [dreg:$0x1f]  }
0x163: {  	p0 =	sne.s32 s18, s31  }
.Ltmp1:
0x164: {  	_ = 	snop;
	(pc) =	sbr.rel @p0 .LBB2_1-.Ltmp1, $3  }
0x165: {  	_ =	sdelay $0x1  }
0x166: {  	[sflag:s17] =	ssyncset.done $0x0  }
0x167: {  	[sflag:s17] =	ssyncadd.s32 $0xFFFFE000  }
0x168: {  	_ =	sfence.sel $0x180000  }
0x169: {  	[bflag:$0x0] =	sbarrier.arrive $0xFFFF  }
0x16a: {  	_ =	strace $0x90000047  }
0x16b: {  	s0 =	stileid.u32;
	[bflag:$0x2] =	sbarrier.arrive $0xFFFF  }
0x16c: {  	p0 =	sne.s32 s0, $0x0;
	s0 =	rddreg [dreg:$0x3]  }
0x16d: {  	s0 =	sadd.s32 @!p0 $0x100000, s0  }
0x16e: {  	[sflag:s0] =	ssyncadd.tile.s32 @!p0 $0x1;
	_ =	shalt  }
.Lfunc_end2:
_tile_overlayer_lowered:
.L_overlay_start_2:
0x16f: {  	(tag) =	ssettag $0x2  }
0x170: {  	s0 =	rddreg [dreg:$0x0];
	s2 =	stileid.u32  }
0x171: {  	s1 =	rddreg [dreg:$0x1];
	p0 =	sne.s32 s2, $0x0  }
0x172: {  	s3 =	rddreg [dreg:$0x2];
	[bflag:$0x3] =	sbarrier.arrive $0xFFFF;
	s2 =	simm.s32 @!p0 $0x1C05  }
0x173: {  	[timem:s3], [sflag:s2] =	dma.local @!p0 [hbm:s0], s1  }
0x174: {  	s0 =	simm.s32 @!p0 $0x5  }
0x175: {  	_ =	swait.ge @!p0 [sflag:s0], s1  }
0x176: {  	s1 =	ssub.s32 @!p0 $0x0, s1;
	[sflag:s0] =	ssyncset.done @!p0 $0x0  }
0x177: {  	[sflag:s0] =	ssyncadd.s32 @!p0 s1  }
0x178: {  	[bflag:$0x3] =	sbarrier.arrive $0xFFFF  }
0x179: {  	_ =	shalt  }

// kernel: sparse-core-data-format-call.cloned.1.call-start
scs
called_computation_lowered:
.L_overlay_start_0:
0x0: {  	s2 =	sld [smem:$0x3FD9]  }
0x1: {  	s3 =	sld [smem:$0x3FFE];
	_ =	sdelay $0x1  }
0x2: {  	s1 =	srdreg.scid  }
0x3: {  	s0 =	sand.u32 $0x1, s1  }
0x4: {  	s18 =	sshll.u32 s0, $0xA;
	s2 =	sadd.s32 s3, s2  }
0x5: {  	s2 =	sadd.s32 s2, s18  }
0x6: {  	[smem:$0x3FC6] =	sst s2  }
0x7: {  	_ = 	snop  }
0x8: {  	s2 =	sld [smem:$0x3FD0];
	(tm) =	ssettm $0x1  }
0x9: {  	s19 =	sld [smem:$0x3FFB];
	_ =	sdelay $0x3  }
0xa: {  	_ =	strace s19  }
0xb: {  	s3 =	sld [smem:$0x3FFC];
	_ =	sdelay $0x3  }
0xc: {  	_ =	strace s3  }
0xd: {  	s3 =	sld [smem:$0x3FFD];
	_ =	sdelay $0x3  }
0xe: {  	_ =	strace s3  }
0xf: {  	_ =	strace $0x8FFFFFFF  }
0x10: {  	s20 =	sld [smem:$0x3FDB];
	_ =	sdelay $0x1  }
0x11: {  	s4 =	simm.s32 $_scs_section_size  }
0x12: {  	s5 =	simm.s32 $_size__tile_overlayer_lowered;
	s6 =	simm.s32 $_tile_overlayer_lowered  }
0x13: {  	s23 =	simm.s32 $0x1BFF;
	s22 =	sshll.u32 s6, $0x1;
	s3 =	sadd.s32 s4, s20  }
0x14: {  	s7 =	simm.s32 $0x0;
	s21 =	sshll.u32 s5, $0x1;
	s5 =	sadd.s32 s22, s3  }
0x15: {  	[timem:s7], [sflag:s23] =	dma.local [hbm:s5], s21  }
0x16: {  	_ =	swait.ge [sflag:s23], s21  }
0x17: {  	s4 =	ssub.s32 $0x0, s21;
	[sflag:s23] =	ssyncset.done $0x0  }
0x18: {  	[sflag:s23] =	ssyncadd.s32 s4;
	_ =	sdelay $0x1  }
0x19: {  	s24 =	simm.s32 $0x1B8B  }
0x1a: {  	_ =	swait.ge [sflag:s24], $0x1  }
0x1b: {  	[sflag:s24] =	ssyncset.done $0x0  }
0x1c: {  	s26 =	simm.s32 $0x1B8E;
	s25 =	sld [smem:$0x3FFE];
	[sflag:s24] =	ssyncadd.s32 $0xFFFFFFFF  }
0x1d: {  	s27 =	simm.s32 $execute0_lowered;
	[smem:$0x3FD2] =	sst s26  }
0x1e: {  	s5 =	sshll.u32 s27, $0x1;
	_ =	strace $0x80000049;
	[dreg:$0x1] =	wrdreg $0xFFFFFFFF  }
0x1f: {  	s28 =	simm.s32 $_size_execute0_lowered;
	s3 =	sadd.s32 s3, s5;
	[dreg:$0x0] =	wrdreg $0x0  }
0x20: {  	s5 =	sshll.u32 s28, $0x1;
	[dreg:$0x2] =	wrdreg s3  }
0x21: {  	[dreg:$0x3] =	wrdreg s5  }
0x22: {  	[dreg:$0x4] =	wrdreg $0xC0  }
0x23: {  	_ =	task [dreg:s7], $0x5FFFF  }
0x24: {  	[dreg:$0x1] =	wrdreg $0xFFFFFFFF  }
0x25: {  	[dreg:$0x0] =	wrdreg $0x60  }
0x26: {  	[dreg:$0x2] =	wrdreg s25  }
0x27: {  	[dreg:$0x3] =	wrdreg s2  }
0x28: {  	[dreg:$0x4] =	wrdreg $0x9  }
0x29: {  	_ =	task.clear_ibuf [dreg:s7], $0x5FFFF;
	_ =	strace $0x90000049  }
0x2a: {  	s29 =	simm.s32 $0x9;
	_ =	strace $0x8000004B  }
0x2b: {  	_ =	swait.ge [sflag:s29], $0x1  }
0x2c: {  	[sflag:s29] =	ssyncadd.s32 $0xFFFFFFFF  }
0x2d: {  	_ =	strace $0x9000004B  }
0x2e: {  	_ =	sfence  }
0x2f: {  	s30 =	sld [smem:$0x0];
	_ =	sdelay $0x2  }
0x30: {  	s31 =	sshll.u32 s1, $0xD;
	s1 =	sshrl.u32 s1, $0x2  }
0x31: {  	s3 =	sand.u32 $0x4000, s31;
	s1 =	sadd.s32 s1, s30  }
0x32: {  	s0 =	sor.u32 s3, s0;
	s1 =	sshll.u32 s1, $0x11  }
0x33: {  	s0 =	sor.u32 s1, s0  }
0x34: {  	s0 =	sadd.s32 $0x8F2B, s0  }
0x35: {  	[sflag:s0] =	ssyncadd.remote.s32 $0x1  }
0x36: {  	_ =	sfence.sel $0xFFFF  }
0x37: {  	[dreg:$0x0] =	wrdreg $0xFFFFFFFF;
	(pc) =	sbr.abs _section_cstart, $3  }
0x38: {  	[dreg:$0x1] =	wrdreg $0xFFFFFFFF  }
0x39: {  	_ =	task.clear_ibuf [dreg:s7], $0x2FFFF;
	_ =	strace $0x9FFFFFFF  }
0x3a: {  	(tm) =	ssettm $0x7FFFFFFF  }
0x3b: {  	_ =	shalt  }
tec
execute0_lowered:
.L_overlay_start_1:
0x0: {  	(tag) =	ssettag $0x1  }
0x1: {  	s0 =	srdreg.scid  }
0x2: {  	s1 =	sshll.u32 s0, $0x4  }
0x3: {  	s0 =	stileid.u32;
	s1 =	sand.u32 $0x10, s1  }
0x4: {  	s1 =	sor.u32 s0, s1  }
0x5: {  	s6 =	rddreg [dreg:$0x0];
	s4 =	simm.s32 $0x1;
	s2 =	sshll.u32 s1, $0x7  }
0x6: {  	s7 =	simm.s32 $0x2;
	s13 =	simm.s32 $0x0;
	s1 =	ssub.s32 $0x1000, s2  }
0x7: {  	s8 =	simm.s32 $0x8000;
	s12 =	simm.s32 $0x0;
	s3 =	sand.u32 $0xF80, s1  }
0x8: {  	s9 =	simm.s32 $0x0;
	s5 =	sshrl.u32 s1, $0xC;
	p0 =	sne.s32 s3, $0x0  }
.Ltmp0:
0x9: {  	s1 =	rddreg [dreg:$0x2];
	s4 =	simm.s32 @!p0 $0x0;
	(pc) =	sbr.rel .LBB1_1-.Ltmp0, $4  }
0xa: {  	s11 =	simm.s32 $0x0;
	s3 =	rddreg [dreg:$0x1];
	s5 =	sadd.s32 s4, s5  }
0xb: {  	_ =	strace $0x8000004A;
	s4 =	simm.s32 $0x1;
	s5 =	smul.u32 $0x64, s5  }
0xc: {  	s6 =	sadd.s32 $0x800, s6;
	s10 =	smov.u32 s2;
	[sflag:s4] =	ssyncpa.u1 $0x0  }
0xd: {  	p0 =	por $0x0, $0x0;
	[sflag:s7] =	ssyncpa.u1 $0x0;
	s7 =	sor.u32 $0x1, s5  }
.LBB1_4:
0xe: {  	v5 =	vld [tilespmem:s17+$0xFFFFFFD0];
	[tilespmem:s16+$0x2040 ss:$0x81] =	vst.msk $0xffff, v4;
	s19 =	sshll.u32 s13, $0xC;
	s20 =	sshll.u32 s12, $0x3  }
0xf: {  	v58 =	vld [tilespmem:s17+$0xFFFFFFE0];
	[tilespmem:s16+$0x2850 ss:$0x81] =	vst.msk $0xffff, v3;
	s19 =	sand.u32 $0xFFFF8000, s19;
	s21 =	sand.u32 $0xFFFFFC00, s20  }
0x10: {  	s18 =	sshra.s32 s18, $0x2;
	v59 =	vld [tilespmem:s17+$0xFFFFFFF0];
	[tilespmem:s16+$0x3060 ss:$0x81] =	vst.msk $0xffff, v2;
	s19 =	sadd.s32 s21, s19  }
0x11: {  	v60 =	vld [tilespmem:s17+$0x0];
	[tilespmem:s16+$0x0 ss:$0x81] =	vst.msk $0xffff, v0;
	s15 =	sadd.s32 s18, s15;
	s26 =	sshrl.u32 s19, $0xC  }
0x12: {  	v61 =	vld [tilespmem:s17+$0x10];
	[tilespmem:s15+$0x3870 ss:$0x81] =	vst.msk $0xffff, v1;
	s27 =	smulhi.u32 $0xA3D71, s26  }
0x13: {  	v62 =	vld [tilespmem:s17+$0x20];
	s28 =	sand.u32 $0x78, s12;
	[tilespmem:s15+$0x810 ss:$0x81] =	vst.msk $0xffff, v5  }
0x14: {  	v63 =	vld [tilespmem:s17+$0xFFFFFFC0];
	s29 =	sshll.u32 s13, $0x7;
	s30 =	sand.u32 $0xC00, s20;
	[tilespmem:s15+$0x1020 ss:$0x81] =	vst.msk $0xffff, v58;
	s18 =	sshrl.u32 s27, $0x1  }
0x15: {  	s13 =	sand.u32 $0x380, s29;
	s17 =	sor.u32 s28, s30;
	[tilespmem:s15+$0x1830 ss:$0x81] =	vst.msk $0xffff, v59;
	s18 =	smul.u32 $0x3200, s18  }
0x16: {  	s13 =	sor.u32 s13, s17;
	[tilespmem:s15+$0x2040 ss:$0x81] =	vst.msk $0xffff, v60  }
0x17: {  	s31 =	sand.u32 $0x7, s12;
	s13 =	sshrl.u32 s13, $0x3;
	[tilespmem:s15+$0x2850 ss:$0x81] =	vst.msk $0xffff, v61;
	s16 =	ssub.s32 s26, s18  }
0x18: {  	s12 =	sshll.u32 s31, $0x12;
	[tilespmem:s15+$0x3060 ss:$0x81] =	vst.msk $0xffff, v62;
	s13 =	sadd.s32 s3, s13;
	s16 =	sshll.u32 s16, $0x9  }
0x19: {  	s12 =	sor.u32 $0x400, s12;
	[tilespmem:s15+$0x0 ss:$0x81] =	vst.msk $0xffff, v63;
	s13 =	sadd.s32 s16, s13  }
0x1a: {  	[hbm4b:s13+s12] =	stream.strided.scatter [tilespmem:s14], [sflag:$0x2], $0x4000, s8, s12, $0x20;
	[tilespmem:$0x10100] =	vst v63  }
.LBB1_5:
0x1b: {  	s14 =	sadd.s32 $0x80, s9  }
0x1c: {  	s12 =	sadd.s32 $0x1000, s10;
	s16 =	smov.u32 s10;
	p2 =	sgt.s32 s14, $0x31FF  }
0x1d: {  	s16 =	smov.u32 @p2 s12  }
0x1e: {  	s14 =	simm.s32 @p2 $0x0;
	p2 =	sgt.s32 s16, $0xFFF  }
0x1f: {  	s16 =	smov.u32 @p2 s2;
	p2 =	sne.s32 s11, s7  }
.Ltmp1:
0x20: {  	p1 =	slt.u32 s11, $0x2;
	(pc) =	sbr.rel @!p2 .LBB1_6-.Ltmp1, $4  }
0x21: {  	s15 =	simm.s32 @!p1 $0x2  }
0x22: {  	s13 =	smov.u32 s9;
	p0 =	por !p0, !p0;
	_ =	swait.ge @!p1 [sflag:s15], $0x4000  }
0x23: {  	s12 =	smov.u32 s10;
	[sflag:s15] =	ssyncset.done @!p1 $0x0;
	s9 =	smov.u32 s14  }
0x24: {  	s11 =	sadd.s32 $0x1, s11;
	[sflag:s15] =	ssyncadd.s32 @!p1 $0xFFFFC000;
	s10 =	smov.u32 s16  }
.LBB1_1:
0x25: {  	p1 =	sge.u32 s11, s5  }
0x26: {  	s14 =	sshrl.u32 @!p1 s10, $0x3  }
0x27: {  	s15 =	sshll.u32 @!p1 s9, $0x3;
	s14 =	smul.u32 @!p1 $0x19000, s14  }
0x28: {  	s16 =	sshll.u32 @!p1 s10, $0x7;
	s15 =	sand.u32 @!p1 $0xFFFFFC00, s15  }
0x29: {  	s14 =	sadd.s32 @!p1 s14, s15;
	s15 =	sand.u32 @!p1 $0x380, s16  }
0x2a: {  	s16 =	sand.u32 @!p1 $0x7F, s9;
	s14 =	sor.u32 @!p1 s15, s14  }
0x2b: {  	s15 =	sor.u32 @!p1 s16, s14  }
0x2c: {  	s16 =	smulhi.u32 @!p1 $0x51EB851F, s15;
	_ =	sdelay $0x1  }
0x2d: {  	s14 =	smulhi.u32 @!p1 $0x51EB851F, s14;
	s16 =	sshrl.u32 @!p1 s16, $0xC  }
0x2e: {  	s16 =	smul.u32 @!p1 $0x3200, s16  }
0x2f: {  	s31 =	sadd.s32 $0xFFFFFFFF, s11;
	s17 =	sxor.u32 @!p1 $0xFFFFFFFF, s11;
	s14 =	sshrl.u32 @!p1 s14, $0xC  }
0x30: {  	s17 =	sshll.u32 @!p1 s17, $0xE;
	s14 =	sand.u32 @!p1 $0xFFF, s14;
	s15 =	ssub.s32 @!p1 s15, s16  }
0x31: {  	s14 =	smul.u32 @!p1 $0x640, s14;
	s16 =	sshrl.u32 @!p1 s15, $0x3;
	s15 =	sand.u32 @!p1 $0x7, s15  }
0x32: {  	s17 =	sand.u32 @!p1 $0x4000, s17;
	s16 =	sadd.s32 @!p1 s6, s16;
	s15 =	sshll.u32 @!p1 s15, $0x12  }
0x33: {  	s14 =	sadd.s32 @!p1 s14, s16;
	s15 =	sor.u32 @!p1 $0x400, s15;
	s16 =	simm.s32 @!p1 $0x19000  }
0x34: {  	[tilespmem:s17], [sflag:$0x1] =	stream.strided.gather @!p1 [hbm4b:s14+s15], $0x4000, s16, s15, $0x38;
	[tilespmem:$0x10100] =	vst v63  }
0x35: {  	p1 =	sge.u32 s31, s5  }
.Ltmp2:
0x36: {  	_ = 	snop;
	(pc) =	sbr.rel @p1 .LBB1_5-.Ltmp2, $1  }
0x37: {  	_ =	sdelay $0x3  }
0x38: {  	s14 =	simm.s32 $0x1  }
0x39: {  	_ =	swait.ge [sflag:s4], $0x4000;
	s14 =	simm.s32 @!p0 $0x0  }
0x3a: {  	[sflag:s4] =	ssyncset.done $0x0;
	s15 =	sshll.u32 s14, $0xE  }
0x3b: {  	[sflag:s4] =	ssyncadd.s32 $0xFFFFC000;
	s17 =	sor.u32 $0x40, s15  }
0x3c: {  	s14 =	smul.u32 $0x10200, s14;
	v0 =	vld [tilespmem:s17+$0x30]  }
0x3d: {  	v1 =	vld [tilespmem:s17+$0xFFFFFFD0]  }
0x3e: {  	s14 =	sshrl.u32 s14, $0x2;
	v5 =	vld [tilespmem:s17+$0xFFFFFFE0]  }
0x3f: {  	v6 =	vld [tilespmem:s17+$0xFFFFFFF0];
	s15 =	sor.u32 $0x8000, s14  }
0x40: {  	s31 =	sand.u32 $0x1, s11;
	v4 =	vld [tilespmem:s17+$0x0];
	s16 =	sadd.s32 $0x0, s15  }
0x41: {  	v3 =	vld [tilespmem:s17+$0x10];
	s14 =	smul.u32 $0x10200, s31;
	[tilespmem:s16+$0x3870 ss:$0x81] =	vst.msk $0xffff, v0  }
0x42: {  	v2 =	vld [tilespmem:s17+$0x20];
	[tilespmem:s16+$0x810 ss:$0x81] =	vst.msk $0xffff, v1  }
0x43: {  	s14 =	sshrl.u32 s14, $0x2;
	v0 =	vld [tilespmem:s17+$0xFFFFFFC0];
	[tilespmem:s16+$0x1020 ss:$0x81] =	vst.msk $0xffff, v5;
	s17 =	sadd.s32 $0x80, s17  }
0x44: {  	s18 =	simm.s32 $0x4;
	s19 =	simm.s32 $0x8;
	s14 =	sor.u32 $0x8000, s14;
	[tilespmem:s16+$0x1830 ss:$0x81] =	vst.msk $0xffff, v6;
	v1 =	vld [tilespmem:s17+$0x30]  }
.LBB1_3:
0x45: {  	p1 =	sne.s32 s19, $0x1FC;
	v5 =	vld [tilespmem:s17+$0xFFFFFFD0];
	[tilespmem:s16+$0x2040 ss:$0x81] =	vst.msk $0xffff, v4  }
0x46: {  	v6 =	vld [tilespmem:s17+$0xFFFFFFE0];
	[tilespmem:s16+$0x2850 ss:$0x81] =	vst.msk $0xffff, v3  }
0x47: {  	s20 =	sshra.s32 s18, $0x2;
	s18 =	smov.u32 s19;
	v7 =	vld [tilespmem:s17+$0xFFFFFFF0];
	[tilespmem:s16+$0x3060 ss:$0x81] =	vst.msk $0xffff, v2  }
.Ltmp3:
0x48: {  	v4 =	vld [tilespmem:s17+$0x0];
	[tilespmem:s16+$0x0 ss:$0x81] =	vst.msk $0xffff, v0;
	s16 =	sadd.s32 s20, s15;
	(pc) =	sbr.rel @p1 .LBB1_3-.Ltmp3, $4  }
0x49: {  	v3 =	vld [tilespmem:s17+$0x10];
	[tilespmem:s16+$0x3870 ss:$0x81] =	vst.msk $0xffff, v1  }
0x4a: {  	[tilespmem:s16+$0x810 ss:$0x81] =	vst.msk $0xffff, v5;
	v2 =	vld [tilespmem:s17+$0x20]  }
0x4b: {  	v0 =	vld [tilespmem:s17+$0xFFFFFFC0];
	[tilespmem:s16+$0x1020 ss:$0x81] =	vst.msk $0xffff, v6;
	s17 =	sadd.s32 $0x80, s17  }
0x4c: {  	s19 =	sadd.s32 $0x4, s19;
	v1 =	vld [tilespmem:s17+$0x30];
	[tilespmem:s16+$0x1830 ss:$0x81] =	vst.msk $0xffff, v7  }
.Ltmp4:
0x4d: {  	_ = 	snop;
	(pc) =	sbr.rel .LBB1_4-.Ltmp4, $1  }
0x4e: {  	_ =	sdelay $0x3  }
.LBB1_6:
0x4f: {  	_ =	sfence.sel $0x180000  }
0x50: {  	s2 =	simm.s32 $0x1;
	[bflag:$0x0] =	sbarrier.arrive $0xFFFF  }
0x51: {  	s31 =	simm.s32 $0x2;
	[sflag:s2] =	ssyncpa.u1 $0x1  }
0x52: {  	[sflag:s31] =	ssyncpa.u1 $0x1  }
0x53: {  	p0 =	sne.s32 s0, $0x0;
	_ =	strace $0x9000004A  }
0x54: {  	s0 =	sadd.s32 @!p0 $0x100000, s1;
	[bflag:$0x2] =	sbarrier.arrive $0xFFFF  }
0x55: {  	[sflag:s0] =	ssyncadd.tile.s32 @!p0 $0x1;
	_ =	shalt  }
.Lfunc_end1:
_tile_overlayer_lowered:
.L_overlay_start_2:
0x56: {  	(tag) =	ssettag $0x2  }
0x57: {  	s0 =	rddreg [dreg:$0x0];
	s2 =	stileid.u32  }
0x58: {  	s1 =	rddreg [dreg:$0x1];
	p0 =	sne.s32 s2, $0x0  }
0x59: {  	s3 =	rddreg [dreg:$0x2];
	[bflag:$0x3] =	sbarrier.arrive $0xFFFF;
	s2 =	simm.s32 @!p0 $0x1C01  }
0x5a: {  	[timem:s3], [sflag:s2] =	dma.local @!p0 [hbm:s0], s1  }
0x5b: {  	s0 =	simm.s32 @!p0 $0x1  }
0x5c: {  	_ =	swait.ge @!p0 [sflag:s0], s1  }
0x5d: {  	s1 =	ssub.s32 @!p0 $0x0, s1;
	[sflag:s0] =	ssyncset.done @!p0 $0x0  }
0x5e: {  	[sflag:s0] =	ssyncadd.s32 @!p0 s1  }
0x5f: {  	[bflag:$0x3] =	sbarrier.arrive $0xFFFF  }
0x60: {  	_ =	shalt  }

</sc_bundles>
